<compile_context>
chip_gen: v7x
topology: tpu7x:2x2x1
jax: 0.10.2.dev20260603
libtpu: 0.0.44.dev20260713+nightly
codegen_flags: <defaults>
</compile_context>

<pallas_src>
import functools

import jax
import jax.numpy as jnp
from jax import lax
from jax.experimental import pallas as pl
from jax.experimental.pallas import tpu as pltpu
from jax.experimental.pallas import tpu_sc as plsc

N = 10000
E = 320000
H = 128
HW = H // 2

NC = 2
NS = 16
NW = NC * NS
EPW = E // NW
C = 80
CL = 64
CI = C - CL
NCHUNK = EPW // C
ZR = 624
ZR_LAST = N - (NS - 1) * ZR


def _sc_edge_stage(xq, src, dst, edge_attr, zeros):
    mesh = plsc.VectorSubcoreMesh(core_axis_name="c", subcore_axis_name="s")

    @functools.partial(
        pl.kernel,
        mesh=mesh,
        compiler_params=pltpu.CompilerParams(needs_layout_passes=False, use_tc_tiling_on_sc=False),
        out_type=jax.ShapeDtypeStruct((NC, N, H), jnp.float32),
        scratch_types=[
            pltpu.VMEM((C,), jnp.int32),
            pltpu.VMEM((C,), jnp.int32),
            pltpu.VMEM((C,), jnp.int32),
            pltpu.VMEM((C,), jnp.int32),
            pltpu.VMEM((16,), jnp.int32),
            pltpu.VMEM((16,), jnp.int32),
            pltpu.VMEM((C, H), jnp.float32),
            pltpu.VMEM((C, H), jnp.float32),
            pltpu.VMEM((C, HW), jnp.int32),
            pltpu.VMEM((C, HW), jnp.int32),
            pltpu.VMEM_SHARED((N, H), jnp.float32),
            pltpu.SemaphoreType.DMA,
            pltpu.SemaphoreType.DMA,
            pltpu.SemaphoreType.DMA,
            pltpu.SemaphoreType.DMA,
            pltpu.SemaphoreType.DMA,
            pltpu.SemaphoreType.DMA,
            pltpu.SemaphoreType.DMA,
            pltpu.SemaphoreType.DMA,
            pltpu.SemaphoreType.DMA,
            pltpu.SemaphoreType.DMA,
            pltpu.SemaphoreType.DMA,
            pltpu.SemaphoreType.DMA,
        ],
    )
    def edge_kernel(xq_hbm, src_hbm, dst_hbm, ea_hbm, z_hbm, out_hbm,
                    src0, src1, dst0, dst1, seq0, seq1,
                    ea0, ea1, xb0, xb1, agg_sh,
                    s_src0, s_src1, s_dst0, s_dst1, s_eal0, s_eal1,
                    s_eai0, s_eai1, s_g0, s_g1, s_o0, s_o1):
        cid = lax.axis_index("c")
        sid = lax.axis_index("s")
        wid = sid * NC + cid
        ebase = wid * EPW

        srcs = (src0, src1)
        dsts = (dst0, dst1)
        seqs = (seq0, seq1)
        eas = (ea0, ea1)
        xbs = (xb0, xb1)
        s_srcs = (s_src0, s_src1)
        s_dsts = (s_dst0, s_dst1)
        s_eals = (s_eal0, s_eal1)
        s_eais = (s_eai0, s_eai1)
        s_gs = (s_g0, s_g1)
        s_os = (s_o0, s_o1)

        def chunk_off(ch):
            return pl.ds(pl.multiple_of(ebase + ch * C, 8), C)

        def lin_off(ch):
            return pl.ds(pl.multiple_of(ebase + ch * C, 8), CL)

        def start_ea(b, ch):
            pltpu.async_copy(ea_hbm.at[chunk_off(ch), :], eas[b], s_eals[b])

        def wait_ea(b, ch):
            pltpu.make_async_copy(ea_hbm.at[chunk_off(ch), :], eas[b],
                                  s_eals[b]).wait()

        row0 = pl.multiple_of(sid * ZR, 8)

        @pl.when(sid < NS - 1)
        def _zero_main():
            pltpu.sync_copy(z_hbm.at[pl.ds(row0, ZR)],
                            agg_sh.at[pl.ds(row0, ZR)])

        @pl.when(sid == NS - 1)
        def _zero_last():
            pltpu.sync_copy(z_hbm.at[pl.ds(row0, ZR_LAST)],
                            agg_sh.at[pl.ds(row0, ZR_LAST)])

        plsc.subcore_barrier()

        def compute(b):
            ea_v = eas[b]
            xb_v = xbs[b]
            himask = jnp.full((16,), -65536, jnp.int32)

            @plsc.parallel_loop(0, C, 1, unroll=4)
            def _rows(r):
                for k in range(HW // 16):
                    w = xb_v[r, pl.ds(k * 16, 16)]
                    fe = plsc.bitcast(w << 16, jnp.float32)
                    fo = plsc.bitcast(w & himask, jnp.float32)
                    sl_lo = pl.ds(k * 32, 16)
                    sl_hi = pl.ds(k * 32 + 16, 16)
                    ea_v[r, sl_lo] = jnp.maximum(ea_v[r, sl_lo] + fe, 0.0)
                    ea_v[r, sl_hi] = jnp.maximum(ea_v[r, sl_hi] + fo, 0.0)

        pltpu.async_copy(src_hbm.at[chunk_off(0)], src0, s_src0)
        pltpu.async_copy(dst_hbm.at[chunk_off(0)], dst0, s_dst0)
        start_ea(0, 0)
        pltpu.make_async_copy(src_hbm.at[chunk_off(0)], src0, s_src0).wait()
        pltpu.async_copy(xq_hbm.at[src0], xb0, s_g0)
        pltpu.async_copy(src_hbm.at[chunk_off(1)], src1, s_src1)

        def step(ch, b):
            nb = 1 - b

            @pl.when(ch > 0)
            def _drain_prev():
                pltpu.make_async_copy(eas[nb], agg_sh.at[dsts[nb]],
                                      s_os[nb]).wait()

            pltpu.make_async_copy(src_hbm.at[chunk_off(ch + 1)], srcs[nb],
                                  s_srcs[nb]).wait()
            pltpu.async_copy(xq_hbm.at[srcs[nb]], xbs[nb], s_gs[nb])
            start_ea(nb, ch + 1)
            pltpu.async_copy(dst_hbm.at[chunk_off(ch + 1)], dsts[nb],
                             s_dsts[nb])

            pltpu.make_async_copy(xq_hbm.at[srcs[b]], xbs[b], s_gs[b]).wait()

            @pl.when(ch < NCHUNK - 2)
            def _prefetch_src2():
                pltpu.async_copy(src_hbm.at[chunk_off(ch + 2)], srcs[b],
                                 s_srcs[b])

            wait_ea(b, ch)
            compute(b)
            pltpu.make_async_copy(dst_hbm.at[chunk_off(ch)], dsts[b],
                                  s_dsts[b]).wait()
            pltpu.async_copy(eas[b], agg_sh.at[dsts[b]], s_os[b], add=True)

        def loop_body(i, carry):
            step(2 * i, 0)
            step(2 * i + 1, 1)
            return carry

        lax.fori_loop(0, (NCHUNK - 1) // 2, loop_body, 0)

        last = NCHUNK - 1
        pltpu.make_async_copy(ea1, agg_sh.at[dst1], s_o1).wait()
        pltpu.make_async_copy(xq_hbm.at[src0], xb0, s_g0).wait()
        wait_ea(0, last)
        compute(0)
        pltpu.make_async_copy(dst_hbm.at[chunk_off(last)], dst0,
                              s_dst0).wait()
        pltpu.async_copy(ea0, agg_sh.at[dst0], s_o0, add=True)
        pltpu.make_async_copy(ea0, agg_sh.at[dst0], s_o0).wait()

        plsc.subcore_barrier()

        @pl.when(sid < NS - 1)
        def _flush_main():
            pltpu.sync_copy(agg_sh.at[pl.ds(row0, ZR)],
                            out_hbm.at[cid, pl.ds(row0, ZR)])

        @pl.when(sid == NS - 1)
        def _flush_last():
            pltpu.sync_copy(agg_sh.at[pl.ds(row0, ZR_LAST)],
                            out_hbm.at[cid, pl.ds(row0, ZR_LAST)])

    return edge_kernel(xq, src, dst, edge_attr, zeros)


def _tc_dense_body(x_ref, a0_ref, a1_ref, w1t_ref, b1_ref, w2t_ref, b2_ref,
                   g_ref, bb_ref, o_ref):
    xv = x_ref[...]
    h = xv + a0_ref[...] + a1_ref[...]
    t = jnp.dot(h, w1t_ref[...], preferred_element_type=jnp.float32)
    t = jnp.maximum(t + b1_ref[...], 0.0)
    h2 = jnp.dot(t, w2t_ref[...], preferred_element_type=jnp.float32)
    h2 = h2 + b2_ref[...] + xv
    mu = jnp.mean(h2, axis=1, keepdims=True)
    var = jnp.mean((h2 - mu) * (h2 - mu), axis=1, keepdims=True)
    hn = (h2 - mu) * lax.rsqrt(var + 1e-5) * g_ref[...] + bb_ref[...]
    out = hn * (1.0 / (1.0 + jnp.exp(-hn)))
    out = jnp.where(jnp.isnan(out), 0.0, out)
    big = jnp.float32(jnp.finfo(jnp.float32).max)
    o_ref[...] = jnp.clip(out, -big, big)


def _tc_dense_stage(x, a0, a1, W1T, b1, W2T, b2, ln_g, ln_b):
    R = 1000
    grid = (N // R,)
    row_spec = pl.BlockSpec((R, H), lambda i: (i, 0))
    full_spec = pl.BlockSpec((H, H), lambda i: (0, 0))
    vec_spec = pl.BlockSpec((1, H), lambda i: (0, 0))
    return pl.pallas_call(
        _tc_dense_body,
        grid=grid,
        in_specs=[row_spec, row_spec, row_spec, full_spec, vec_spec,
                  full_spec, vec_spec, vec_spec, vec_spec],
        out_specs=row_spec,
        out_shape=jax.ShapeDtypeStruct((N, H), jnp.float32),
    )(x, a0, a1, W1T, b1.reshape(1, H), W2T, b2.reshape(1, H),
      ln_g.reshape(1, H), ln_b.reshape(1, H))


def _pack_x(x):
    xb = x.astype(jnp.bfloat16)
    xp = xb.reshape(N, H // 32, 2, 16).transpose(0, 1, 3, 2)
    return jax.lax.bitcast_convert_type(xp.reshape(N, HW, 2), jnp.int32)


def kernel(x, edge_index, edge_attr, W1, b1, W2, b2, ln_g, ln_b):
    src = edge_index[0].astype(jnp.int32)
    dst = edge_index[1].astype(jnp.int32)
    zeros = jnp.zeros((N, H), jnp.float32)
    xq = _pack_x(x)
    partials = _sc_edge_stage(xq, src, dst, edge_attr, zeros)
    return _tc_dense_stage(x, partials[0], partials[1],
                           W1.T, b1, W2.T, b2, ln_g, ln_b)

# --- scband reference (transcript-rebuilt; emitter-appended) ---
"""Pipeline reference for scband-main-model-49323404427799 (READ-ONLY COPY).

The authoritative reference and input builder live on the scoring server;
editing this copy changes nothing except your own understanding.
"""

import jax, jax.numpy as jnp
import numpy as np

N = 10000
E = 320000
H = 128


def setup_inputs(seed: int = 0) -> dict:
    key = jax.random.key(seed)
    ks = jax.random.split(key, 10)
    x = jax.random.normal(ks[0], (N, H), dtype=jnp.float32)
    edge_index = jax.random.randint(ks[1], (2, E), 0, N, dtype=jnp.int64)
    edge_attr = jax.random.normal(ks[2], (E, H), dtype=jnp.float32)
    s = 1.0 / np.sqrt(H)
    W1 = jax.random.uniform(ks[3], (H, H), jnp.float32, -s, s)
    b1 = jax.random.uniform(ks[4], (H,), jnp.float32, -s, s)
    W2 = jax.random.uniform(ks[5], (H, H), jnp.float32, -s, s)
    b2 = jax.random.uniform(ks[6], (H,), jnp.float32, -s, s)
    ln_g = jnp.ones((H,), jnp.float32)
    ln_b = jnp.zeros((H,), jnp.float32)
    return {"x": x, "edge_index": edge_index, "edge_attr": edge_attr,
            "W1": W1, "b1": b1, "W2": W2, "b2": b2, "ln_g": ln_g, "ln_b": ln_b}


def reference(x, edge_index, edge_attr, W1, b1, W2, b2, ln_g, ln_b):
    # GINEConv: message = relu(x[src] + edge_attr), sum-aggregated at dst
    src = edge_index[0]
    dst = edge_index[1]
    msg = jax.nn.relu(jnp.take(x, src, axis=0) + edge_attr)
    agg = jax.ops.segment_sum(msg, dst, num_segments=x.shape[0])
    eps = 0.0  # GINEConv default, train_eps=False
    h = (1.0 + eps) * x + agg
    # mlp: Linear -> ReLU -> Linear
    h = jax.nn.relu(h @ W1.T + b1) @ W2.T + b2
    # residual (shapes match)
    h = h + x
    # LayerNorm over feature dim
    mu = jnp.mean(h, axis=-1, keepdims=True)
    var = jnp.var(h, axis=-1, keepdims=True)
    h = (h - mu) / jnp.sqrt(var + 1e-5) * ln_g + ln_b
    # SiLU activation
    h = h * jax.nn.sigmoid(h)
    # dropout is identity in eval mode
    return jnp.nan_to_num(h)

if __name__ == "__main__":
    import jax
    _d = setup_inputs()
    print(jax.jit(kernel)(*tuple(_d.values())))

</pallas_src>

<mosaic_0001>
#map = affine_map<(d0, d1) -> (0, 0)>
#map1 = affine_map<(d0, d1) -> (0)>
#map2 = affine_map<(d0, d1) -> (0, 0, 0)>
module attributes {stable_mosaic.version = 14 : i64} {
  func.func @edge_kernel(%arg0: i32, %arg1: i32, %arg2: memref<10000x64xi32, #tpu.memory_space<hbm>>, %arg3: memref<320000xi32, #tpu.memory_space<hbm>>, %arg4: memref<320000xi32, #tpu.memory_space<hbm>>, %arg5: memref<320000x128xf32, #tpu.memory_space<hbm>>, %arg6: memref<10000x128xf32, #tpu.memory_space<hbm>>, %arg7: memref<2x10000x128xf32, #tpu.memory_space<hbm>>, %arg8: memref<80xi32, #tpu.memory_space<vmem>>, %arg9: memref<80xi32, #tpu.memory_space<vmem>>, %arg10: memref<80xi32, #tpu.memory_space<vmem>>, %arg11: memref<80xi32, #tpu.memory_space<vmem>>, %arg12: memref<16xi32, #tpu.memory_space<vmem>>, %arg13: memref<16xi32, #tpu.memory_space<vmem>>, %arg14: memref<80x128xf32, #tpu.memory_space<vmem>>, %arg15: memref<80x128xf32, #tpu.memory_space<vmem>>, %arg16: memref<80x64xi32, #tpu.memory_space<vmem>>, %arg17: memref<80x64xi32, #tpu.memory_space<vmem>>, %arg18: memref<10000x128xf32, #tpu.memory_space<vmem_shared>>, %arg19: memref<!tpu.dma_semaphore, #tpu.memory_space<semaphore_mem>>, %arg20: memref<!tpu.dma_semaphore, #tpu.memory_space<semaphore_mem>>, %arg21: memref<!tpu.dma_semaphore, #tpu.memory_space<semaphore_mem>>, %arg22: memref<!tpu.dma_semaphore, #tpu.memory_space<semaphore_mem>>, %arg23: memref<!tpu.dma_semaphore, #tpu.memory_space<semaphore_mem>>, %arg24: memref<!tpu.dma_semaphore, #tpu.memory_space<semaphore_mem>>, %arg25: memref<!tpu.dma_semaphore, #tpu.memory_space<semaphore_mem>>, %arg26: memref<!tpu.dma_semaphore, #tpu.memory_space<semaphore_mem>>, %arg27: memref<!tpu.dma_semaphore, #tpu.memory_space<semaphore_mem>>, %arg28: memref<!tpu.dma_semaphore, #tpu.memory_space<semaphore_mem>>, %arg29: memref<!tpu.dma_semaphore, #tpu.memory_space<semaphore_mem>>, %arg30: memref<!tpu.dma_semaphore, #tpu.memory_space<semaphore_mem>>) attributes {dimension_semantics = [#tpu.dimension_semantics<core_parallel>, #tpu.dimension_semantics<subcore_parallel>], iteration_bounds = array<i64: 2, 16>, scalar_prefetch = 0 : i64, scratch_operands = 23 : i64, tpu.core_type = #tpu.core_type<sc_vector_subcore>, window_params = [{transform_indices = #map}, {transform_indices = #map1}, {transform_indices = #map1}, {transform_indices = #map}, {transform_indices = #map}, {transform_indices = #map2}]} {
    %mul3A = arith.constant 2 : i32
    %mul3A_0 = arith.muli %arg1, %mul3A : i32
    %add3A = arith.addi %mul3A_0, %arg0 : i32
    %mul3A_1 = arith.constant 10000 : i32
    %mul3A_2 = arith.muli %add3A, %mul3A_1 : i32
    %mul3A_3 = arith.constant 624 : i32
    %mul3A_4 = arith.muli %arg1, %mul3A_3 : i32
    %multiple_of3A = tpu.assume_multiple %mul3A_4, 8 : i32
    %lt3A = arith.constant 15 : i32
    %lt3A_5 = arith.cmpi slt, %arg1, %lt3A : i32
    %convert_element_type3A = arith.extui %lt3A_5 : i1 to i32
    %cond3A = arith.constant 0 : i32
    %cond3A_6 = arith.cmpi ne, %convert_element_type3A, %cond3A : i32
    scf.if %cond3A_6 {
      "tpu.region"() ({
        %run_scoped3A = tpu.sem_alloc : memref<!tpu.dma_semaphore, #tpu.memory_space<semaphore_mem>>
        %dma_start3A_82 = arith.constant 0 : i32
        %dma_start3A_83 = tpu.memref_slice %arg18[%multiple_of3A, %dma_start3A_82] : memref<10000x128xf32, #tpu.memory_space<vmem_shared>> -> memref<624x128xf32, #tpu.memory_space<vmem_shared>>
        %dma_start3A_84 = arith.constant 0 : i32
        %dma_start3A_85 = tpu.memref_slice %arg6[%multiple_of3A, %dma_start3A_84] : memref<10000x128xf32, #tpu.memory_space<hbm>> -> memref<624x128xf32, #tpu.memory_space<hbm>>
        tpu.enqueue_dma source(%dma_start3A_85 : memref<624x128xf32, #tpu.memory_space<hbm>>) target(%dma_start3A_83 : memref<624x128xf32, #tpu.memory_space<vmem_shared>>) target_semaphore(%run_scoped3A : memref<!tpu.dma_semaphore, #tpu.memory_space<semaphore_mem>>)
        %dma_wait3A_86 = arith.constant 0 : i32
        %dma_wait3A_87 = tpu.memref_slice %arg18[%multiple_of3A, %dma_wait3A_86] : memref<10000x128xf32, #tpu.memory_space<vmem_shared>> -> memref<624x128xf32, #tpu.memory_space<vmem_shared>>
        %dma_wait3A_88 = arith.constant 0 : i32
        %dma_wait3A_89 = tpu.memref_slice %arg6[%multiple_of3A, %dma_wait3A_88] : memref<10000x128xf32, #tpu.memory_space<hbm>> -> memref<624x128xf32, #tpu.memory_space<hbm>>
        tpu.wait_dma2 semaphore(%run_scoped3A : memref<!tpu.dma_semaphore, #tpu.memory_space<semaphore_mem>>) src(%dma_wait3A_89 : memref<624x128xf32, #tpu.memory_space<hbm>>) dst(%dma_wait3A_87 : memref<624x128xf32, #tpu.memory_space<vmem_shared>>)
        tpu.yield
      }) : () -> ()
    } else {
    }
    %eq3A = arith.constant 15 : i32
    %eq3A_7 = arith.cmpi eq, %arg1, %eq3A : i32
    %convert_element_type3A_8 = arith.extui %eq3A_7 : i1 to i32
    %cond3A_9 = arith.constant 0 : i32
    %cond3A_10 = arith.cmpi ne, %convert_element_type3A_8, %cond3A_9 : i32
    scf.if %cond3A_10 {
      "tpu.region"() ({
        %run_scoped3A = tpu.sem_alloc : memref<!tpu.dma_semaphore, #tpu.memory_space<semaphore_mem>>
        %dma_start3A_82 = arith.constant 0 : i32
        %dma_start3A_83 = tpu.memref_slice %arg18[%multiple_of3A, %dma_start3A_82] : memref<10000x128xf32, #tpu.memory_space<vmem_shared>> -> memref<640x128xf32, #tpu.memory_space<vmem_shared>>
        %dma_start3A_84 = arith.constant 0 : i32
        %dma_start3A_85 = tpu.memref_slice %arg6[%multiple_of3A, %dma_start3A_84] : memref<10000x128xf32, #tpu.memory_space<hbm>> -> memref<640x128xf32, #tpu.memory_space<hbm>>
        tpu.enqueue_dma source(%dma_start3A_85 : memref<640x128xf32, #tpu.memory_space<hbm>>) target(%dma_start3A_83 : memref<640x128xf32, #tpu.memory_space<vmem_shared>>) target_semaphore(%run_scoped3A : memref<!tpu.dma_semaphore, #tpu.memory_space<semaphore_mem>>)
        %dma_wait3A_86 = arith.constant 0 : i32
        %dma_wait3A_87 = tpu.memref_slice %arg18[%multiple_of3A, %dma_wait3A_86] : memref<10000x128xf32, #tpu.memory_space<vmem_shared>> -> memref<640x128xf32, #tpu.memory_space<vmem_shared>>
        %dma_wait3A_88 = arith.constant 0 : i32
        %dma_wait3A_89 = tpu.memref_slice %arg6[%multiple_of3A, %dma_wait3A_88] : memref<10000x128xf32, #tpu.memory_space<hbm>> -> memref<640x128xf32, #tpu.memory_space<hbm>>
        tpu.wait_dma2 semaphore(%run_scoped3A : memref<!tpu.dma_semaphore, #tpu.memory_space<semaphore_mem>>) src(%dma_wait3A_89 : memref<640x128xf32, #tpu.memory_space<hbm>>) dst(%dma_wait3A_87 : memref<640x128xf32, #tpu.memory_space<vmem_shared>>)
        tpu.yield
      }) : () -> ()
    } else {
    }
    %barrier3A = arith.constant 0 : index
    tpu.barrier barrier_id(%barrier3A)
    %add3A_11 = arith.constant 0 : i32
    %add3A_12 = arith.addi %mul3A_2, %add3A_11 : i32
    %multiple_of3A_13 = tpu.assume_multiple %add3A_12, 8 : i32
    %dma_start3A = tpu.memref_slice %arg3[%multiple_of3A_13] : memref<320000xi32, #tpu.memory_space<hbm>> -> memref<80xi32, #tpu.memory_space<hbm>>
    %dma_start3A_14 = tpu.memref_slice %arg3[%multiple_of3A_13] : memref<320000xi32, #tpu.memory_space<hbm>> -> memref<80xi32, #tpu.memory_space<hbm>>
    tpu.enqueue_dma source(%dma_start3A_14 : memref<80xi32, #tpu.memory_space<hbm>>) target(%arg8 : memref<80xi32, #tpu.memory_space<vmem>>) target_semaphore(%arg19 : memref<!tpu.dma_semaphore, #tpu.memory_space<semaphore_mem>>)
    %add3A_15 = arith.constant 0 : i32
    %add3A_16 = arith.addi %mul3A_2, %add3A_15 : i32
    %multiple_of3A_17 = tpu.assume_multiple %add3A_16, 8 : i32
    %dma_start3A_18 = tpu.memref_slice %arg4[%multiple_of3A_17] : memref<320000xi32, #tpu.memory_space<hbm>> -> memref<80xi32, #tpu.memory_space<hbm>>
    %dma_start3A_19 = tpu.memref_slice %arg4[%multiple_of3A_17] : memref<320000xi32, #tpu.memory_space<hbm>> -> memref<80xi32, #tpu.memory_space<hbm>>
    tpu.enqueue_dma source(%dma_start3A_19 : memref<80xi32, #tpu.memory_space<hbm>>) target(%arg10 : memref<80xi32, #tpu.memory_space<vmem>>) target_semaphore(%arg21 : memref<!tpu.dma_semaphore, #tpu.memory_space<semaphore_mem>>)
    %add3A_20 = arith.constant 0 : i32
    %add3A_21 = arith.addi %mul3A_2, %add3A_20 : i32
    %multiple_of3A_22 = tpu.assume_multiple %add3A_21, 8 : i32
    %dma_start3A_23 = arith.constant 0 : i32
    %dma_start3A_24 = tpu.memref_slice %arg5[%multiple_of3A_22, %dma_start3A_23] : memref<320000x128xf32, #tpu.memory_space<hbm>> -> memref<80x128xf32, #tpu.memory_space<hbm>>
    %dma_start3A_25 = arith.constant 0 : i32
    %dma_start3A_26 = tpu.memref_slice %arg5[%multiple_of3A_22, %dma_start3A_25] : memref<320000x128xf32, #tpu.memory_space<hbm>> -> memref<80x128xf32, #tpu.memory_space<hbm>>
    tpu.enqueue_dma source(%dma_start3A_26 : memref<80x128xf32, #tpu.memory_space<hbm>>) target(%arg14 : memref<80x128xf32, #tpu.memory_space<vmem>>) target_semaphore(%arg23 : memref<!tpu.dma_semaphore, #tpu.memory_space<semaphore_mem>>)
    %add3A_27 = arith.constant 0 : i32
    %add3A_28 = arith.addi %mul3A_2, %add3A_27 : i32
    %multiple_of3A_29 = tpu.assume_multiple %add3A_28, 8 : i32
    %dma_wait3A = tpu.memref_slice %arg3[%multiple_of3A_29] : memref<320000xi32, #tpu.memory_space<hbm>> -> memref<80xi32, #tpu.memory_space<hbm>>
    %dma_wait3A_30 = tpu.memref_slice %arg3[%multiple_of3A_29] : memref<320000xi32, #tpu.memory_space<hbm>> -> memref<80xi32, #tpu.memory_space<hbm>>
    tpu.wait_dma2 semaphore(%arg19 : memref<!tpu.dma_semaphore, #tpu.memory_space<semaphore_mem>>) src(%dma_wait3A_30 : memref<80xi32, #tpu.memory_space<hbm>>) dst(%arg8 : memref<80xi32, #tpu.memory_space<vmem>>)
    %dma_start3A_31 = arith.constant 0 : i32
    %dma_start3A_32 = arith.constant 0 : i32
    %dma_start3A_33 = tpu.memref_slice %arg2[%dma_start3A_31, %dma_start3A_32] : memref<10000x64xi32, #tpu.memory_space<hbm>> -> memref<10000x64xi32, #tpu.memory_space<hbm>>
    tpu.enqueue_indirect_dma source(%dma_start3A_33 : memref<10000x64xi32, #tpu.memory_space<hbm>>) target(%arg16 : memref<80x64xi32, #tpu.memory_space<vmem>>) offsets(%arg8 : memref<80xi32, #tpu.memory_space<vmem>>) semaphore(%arg27 : memref<!tpu.dma_semaphore, #tpu.memory_space<semaphore_mem>>)
    %add3A_34 = arith.constant 80 : i32
    %add3A_35 = arith.addi %mul3A_2, %add3A_34 : i32
    %multiple_of3A_36 = tpu.assume_multiple %add3A_35, 8 : i32
    %dma_start3A_37 = tpu.memref_slice %arg3[%multiple_of3A_36] : memref<320000xi32, #tpu.memory_space<hbm>> -> memref<80xi32, #tpu.memory_space<hbm>>
    %dma_start3A_38 = tpu.memref_slice %arg3[%multiple_of3A_36] : memref<320000xi32, #tpu.memory_space<hbm>> -> memref<80xi32, #tpu.memory_space<hbm>>
    tpu.enqueue_dma source(%dma_start3A_38 : memref<80xi32, #tpu.memory_space<hbm>>) target(%arg9 : memref<80xi32, #tpu.memory_space<vmem>>) target_semaphore(%arg20 : memref<!tpu.dma_semaphore, #tpu.memory_space<semaphore_mem>>)
    %scan3A = arith.constant 0 : i32
    %scan3A_39 = arith.constant 0 : i32
    %scan3A_40 = arith.constant 62 : i32
    %scan3A_41 = arith.addi %scan3A_39, %scan3A_40 : i32
    %scan3A_42 = arith.constant 1 : i32
    scf.for %scan3A_82 = %scan3A_39 to %scan3A_41 step %scan3A_42  : i32 {
      %mul3A_83 = arith.constant 2 : i32
      %mul3A_84 = arith.muli %mul3A_83, %scan3A_82 : i32
      %gt3A = arith.constant 0 : i32
      %gt3A_85 = arith.cmpi sgt, %mul3A_84, %gt3A : i32
      %convert_element_type3A_86 = arith.extui %gt3A_85 : i1 to i32
      %cond3A_87 = arith.constant 0 : i32
      %cond3A_88 = arith.cmpi ne, %convert_element_type3A_86, %cond3A_87 : i32
      scf.if %cond3A_88 {
        %dma_wait3A_216 = arith.constant 0 : i32
        %dma_wait3A_217 = arith.constant 0 : i32
        %dma_wait3A_218 = tpu.memref_slice %arg18[%dma_wait3A_216, %dma_wait3A_217] : memref<10000x128xf32, #tpu.memory_space<vmem_shared>> -> memref<10000x128xf32, #tpu.memory_space<vmem_shared>>
        tpu.wait_indirect_dma semaphore(%arg30 : memref<!tpu.dma_semaphore, #tpu.memory_space<semaphore_mem>>) src(%arg15 : memref<80x128xf32, #tpu.memory_space<vmem>>) dst(%dma_wait3A_218 : memref<10000x128xf32, #tpu.memory_space<vmem_shared>>)
      } else {
      }
      %add3A_89 = arith.constant 1 : i32
      %add3A_90 = arith.addi %mul3A_84, %add3A_89 : i32
      %mul3A_91 = arith.constant 80 : i32
      %mul3A_92 = arith.muli %add3A_90, %mul3A_91 : i32
      %add3A_93 = arith.addi %mul3A_2, %mul3A_92 : i32
      %multiple_of3A_94 = tpu.assume_multiple %add3A_93, 8 : i32
      %dma_wait3A_95 = tpu.memref_slice %arg3[%multiple_of3A_94] : memref<320000xi32, #tpu.memory_space<hbm>> -> memref<80xi32, #tpu.memory_space<hbm>>
      %dma_wait3A_96 = tpu.memref_slice %arg3[%multiple_of3A_94] : memref<320000xi32, #tpu.memory_space<hbm>> -> memref<80xi32, #tpu.memory_space<hbm>>
      tpu.wait_dma2 semaphore(%arg20 : memref<!tpu.dma_semaphore, #tpu.memory_space<semaphore_mem>>) src(%dma_wait3A_96 : memref<80xi32, #tpu.memory_space<hbm>>) dst(%arg9 : memref<80xi32, #tpu.memory_space<vmem>>)
      %dma_start3A_97 = arith.constant 0 : i32
      %dma_start3A_98 = arith.constant 0 : i32
      %dma_start3A_99 = tpu.memref_slice %arg2[%dma_start3A_97, %dma_start3A_98] : memref<10000x64xi32, #tpu.memory_space<hbm>> -> memref<10000x64xi32, #tpu.memory_space<hbm>>
      tpu.enqueue_indirect_dma source(%dma_start3A_99 : memref<10000x64xi32, #tpu.memory_space<hbm>>) target(%arg17 : memref<80x64xi32, #tpu.memory_space<vmem>>) offsets(%arg9 : memref<80xi32, #tpu.memory_space<vmem>>) semaphore(%arg28 : memref<!tpu.dma_semaphore, #tpu.memory_space<semaphore_mem>>)
      %add3A_100 = arith.constant 1 : i32
      %add3A_101 = arith.addi %mul3A_84, %add3A_100 : i32
      %mul3A_102 = arith.constant 80 : i32
      %mul3A_103 = arith.muli %add3A_101, %mul3A_102 : i32
      %add3A_104 = arith.addi %mul3A_2, %mul3A_103 : i32
      %multiple_of3A_105 = tpu.assume_multiple %add3A_104, 8 : i32
      %dma_start3A_106 = arith.constant 0 : i32
      %dma_start3A_107 = tpu.memref_slice %arg5[%multiple_of3A_105, %dma_start3A_106] : memref<320000x128xf32, #tpu.memory_space<hbm>> -> memref<80x128xf32, #tpu.memory_space<hbm>>
      %dma_start3A_108 = arith.constant 0 : i32
      %dma_start3A_109 = tpu.memref_slice %arg5[%multiple_of3A_105, %dma_start3A_108] : memref<320000x128xf32, #tpu.memory_space<hbm>> -> memref<80x128xf32, #tpu.memory_space<hbm>>
      tpu.enqueue_dma source(%dma_start3A_109 : memref<80x128xf32, #tpu.memory_space<hbm>>) target(%arg15 : memref<80x128xf32, #tpu.memory_space<vmem>>) target_semaphore(%arg24 : memref<!tpu.dma_semaphore, #tpu.memory_space<semaphore_mem>>)
      %add3A_110 = arith.constant 1 : i32
      %add3A_111 = arith.addi %mul3A_84, %add3A_110 : i32
      %mul3A_112 = arith.constant 80 : i32
      %mul3A_113 = arith.muli %add3A_111, %mul3A_112 : i32
      %add3A_114 = arith.addi %mul3A_2, %mul3A_113 : i32
      %multiple_of3A_115 = tpu.assume_multiple %add3A_114, 8 : i32
      %dma_start3A_116 = tpu.memref_slice %arg4[%multiple_of3A_115] : memref<320000xi32, #tpu.memory_space<hbm>> -> memref<80xi32, #tpu.memory_space<hbm>>
      %dma_start3A_117 = tpu.memref_slice %arg4[%multiple_of3A_115] : memref<320000xi32, #tpu.memory_space<hbm>> -> memref<80xi32, #tpu.memory_space<hbm>>
      tpu.enqueue_dma source(%dma_start3A_117 : memref<80xi32, #tpu.memory_space<hbm>>) target(%arg11 : memref<80xi32, #tpu.memory_space<vmem>>) target_semaphore(%arg22 : memref<!tpu.dma_semaphore, #tpu.memory_space<semaphore_mem>>)
      %dma_wait3A_118 = arith.constant 0 : i32
      %dma_wait3A_119 = arith.constant 0 : i32
      %dma_wait3A_120 = tpu.memref_slice %arg2[%dma_wait3A_118, %dma_wait3A_119] : memref<10000x64xi32, #tpu.memory_space<hbm>> -> memref<10000x64xi32, #tpu.memory_space<hbm>>
      tpu.wait_indirect_dma semaphore(%arg27 : memref<!tpu.dma_semaphore, #tpu.memory_space<semaphore_mem>>) src(%dma_wait3A_120 : memref<10000x64xi32, #tpu.memory_space<hbm>>) dst(%arg16 : memref<80x64xi32, #tpu.memory_space<vmem>>)
      %lt3A_121 = arith.constant 123 : i32
      %lt3A_122 = arith.cmpi slt, %mul3A_84, %lt3A_121 : i32
      %convert_element_type3A_123 = arith.extui %lt3A_122 : i1 to i32
      %cond3A_124 = arith.constant 0 : i32
      %cond3A_125 = arith.cmpi ne, %convert_element_type3A_123, %cond3A_124 : i32
      scf.if %cond3A_125 {
        %add3A_216 = arith.constant 2 : i32
        %add3A_217 = arith.addi %mul3A_84, %add3A_216 : i32
        %mul3A_218 = arith.constant 80 : i32
        %mul3A_219 = arith.muli %add3A_217, %mul3A_218 : i32
        %add3A_220 = arith.addi %mul3A_2, %mul3A_219 : i32
        %multiple_of3A_221 = tpu.assume_multiple %add3A_220, 8 : i32
        %dma_start3A_222 = tpu.memref_slice %arg3[%multiple_of3A_221] : memref<320000xi32, #tpu.memory_space<hbm>> -> memref<80xi32, #tpu.memory_space<hbm>>
        %dma_start3A_223 = tpu.memref_slice %arg3[%multiple_of3A_221] : memref<320000xi32, #tpu.memory_space<hbm>> -> memref<80xi32, #tpu.memory_space<hbm>>
        tpu.enqueue_dma source(%dma_start3A_223 : memref<80xi32, #tpu.memory_space<hbm>>) target(%arg8 : memref<80xi32, #tpu.memory_space<vmem>>) target_semaphore(%arg19 : memref<!tpu.dma_semaphore, #tpu.memory_space<semaphore_mem>>)
      } else {
      }
      %mul3A_126 = arith.constant 80 : i32
      %mul3A_127 = arith.muli %mul3A_84, %mul3A_126 : i32
      %add3A_128 = arith.addi %mul3A_2, %mul3A_127 : i32
      %multiple_of3A_129 = tpu.assume_multiple %add3A_128, 8 : i32
      %dma_wait3A_130 = arith.constant 0 : i32
      %dma_wait3A_131 = tpu.memref_slice %arg5[%multiple_of3A_129, %dma_wait3A_130] : memref<320000x128xf32, #tpu.memory_space<hbm>> -> memref<80x128xf32, #tpu.memory_space<hbm>>
      %dma_wait3A_132 = arith.constant 0 : i32
      %dma_wait3A_133 = tpu.memref_slice %arg5[%multiple_of3A_129, %dma_wait3A_132] : memref<320000x128xf32, #tpu.memory_space<hbm>> -> memref<80x128xf32, #tpu.memory_space<hbm>>
      tpu.wait_dma2 semaphore(%arg23 : memref<!tpu.dma_semaphore, #tpu.memory_space<semaphore_mem>>) src(%dma_wait3A_133 : memref<80x128xf32, #tpu.memory_space<hbm>>) dst(%arg14 : memref<80x128xf32, #tpu.memory_space<vmem>>)
      %broadcast_in_dim3A_134 = arith.constant -65536 : i32
      %broadcast_in_dim3A_135 = vector.broadcast %broadcast_in_dim3A_134 : i32 to vector<16xi32>
      %parallel_loop3A_136 = arith.constant 0 : i32
      %parallel_loop3A_137 = arith.constant 80 : i32
      %parallel_loop3A_138 = arith.constant 1 : i32
      scf.for %parallel_loop3A_216 = %parallel_loop3A_136 to %parallel_loop3A_137 step %parallel_loop3A_138  : i32 {
        %parallel_loop3A_217 = arith.index_cast %parallel_loop3A_216 : i32 to index
        %parallel_loop3A_218 = arith.constant 0 : index
        %parallel_loop3A_219 = tpu.vector_load %arg16[%parallel_loop3A_217, %parallel_loop3A_218] {strides = array<i32>} : memref<80x64xi32, #tpu.memory_space<vmem>>, vector<16xi32>,
        %parallel_loop3A_220 = arith.constant 16 : i32
        %parallel_loop3A_221 = vector.broadcast %parallel_loop3A_220 : i32 to vector<16xi32>
        %parallel_loop3A_222 = arith.shli %parallel_loop3A_219, %parallel_loop3A_221 : vector<16xi32>
        %parallel_loop3A_223 = vector.bitcast %parallel_loop3A_222 : vector<16xi32> to vector<16xf32>
        %parallel_loop3A_224 = arith.andi %parallel_loop3A_219, %broadcast_in_dim3A_135 : vector<16xi32>
        %parallel_loop3A_225 = vector.bitcast %parallel_loop3A_224 : vector<16xi32> to vector<16xf32>
        %parallel_loop3A_226 = arith.index_cast %parallel_loop3A_216 : i32 to index
        %parallel_loop3A_227 = arith.constant 0 : index
        %parallel_loop3A_228 = tpu.vector_load %arg14[%parallel_loop3A_226, %parallel_loop3A_227] {strides = array<i32>} : memref<80x128xf32, #tpu.memory_space<vmem>>, vector<16xf32>,
        %parallel_loop3A_229 = arith.addf %parallel_loop3A_228, %parallel_loop3A_223 : vector<16xf32>
        %parallel_loop3A_230 = arith.constant 0.000000e+00 : f32
        %parallel_loop3A_231 = vector.broadcast %parallel_loop3A_230 : f32 to vector<16xf32>
        %parallel_loop3A_232 = arith.maximumf %parallel_loop3A_229, %parallel_loop3A_231 : vector<16xf32>
        %parallel_loop3A_233 = arith.index_cast %parallel_loop3A_216 : i32 to index
        %parallel_loop3A_234 = arith.constant 0 : index
        %parallel_loop3A_235 = tpu.vector_load %arg14[%parallel_loop3A_233, %parallel_loop3A_234] {strides = array<i32>} : memref<80x128xf32, #tpu.memory_space<vmem>>, vector<16xf32>,
        tpu.vector_store %arg14[%parallel_loop3A_233, %parallel_loop3A_234], %parallel_loop3A_232 {strides = array<i32>} : memref<80x128xf32, #tpu.memory_space<vmem>>, vector<16xf32>,
        %parallel_loop3A_236 = arith.index_cast %parallel_loop3A_216 : i32 to index
        %parallel_loop3A_237 = arith.constant 16 : index
        %parallel_loop3A_238 = tpu.vector_load %arg14[%parallel_loop3A_236, %parallel_loop3A_237] {strides = array<i32>} : memref<80x128xf32, #tpu.memory_space<vmem>>, vector<16xf32>,
        %parallel_loop3A_239 = arith.addf %parallel_loop3A_238, %parallel_loop3A_225 : vector<16xf32>
        %parallel_loop3A_240 = arith.constant 0.000000e+00 : f32
        %parallel_loop3A_241 = vector.broadcast %parallel_loop3A_240 : f32 to vector<16xf32>
        %parallel_loop3A_242 = arith.maximumf %parallel_loop3A_239, %parallel_loop3A_241 : vector<16xf32>
        %parallel_loop3A_243 = arith.index_cast %parallel_loop3A_216 : i32 to index
        %parallel_loop3A_244 = arith.constant 16 : index
        %parallel_loop3A_245 = tpu.vector_load %arg14[%parallel_loop3A_243, %parallel_loop3A_244] {strides = array<i32>} : memref<80x128xf32, #tpu.memory_space<vmem>>, vector<16xf32>,
        tpu.vector_store %arg14[%parallel_loop3A_243, %parallel_loop3A_244], %parallel_loop3A_242 {strides = array<i32>} : memref<80x128xf32, #tpu.memory_space<vmem>>, vector<16xf32>,
        %parallel_loop3A_246 = arith.index_cast %parallel_loop3A_216 : i32 to index
        %parallel_loop3A_247 = arith.constant 16 : index
        %parallel_loop3A_248 = tpu.vector_load %arg16[%parallel_loop3A_246, %parallel_loop3A_247] {strides = array<i32>} : memref<80x64xi32, #tpu.memory_space<vmem>>, vector<16xi32>,
        %parallel_loop3A_249 = arith.constant 16 : i32
        %parallel_loop3A_250 = vector.broadcast %parallel_loop3A_249 : i32 to vector<16xi32>
        %parallel_loop3A_251 = arith.shli %parallel_loop3A_248, %parallel_loop3A_250 : vector<16xi32>
        %parallel_loop3A_252 = vector.bitcast %parallel_loop3A_251 : vector<16xi32> to vector<16xf32>
        %parallel_loop3A_253 = arith.andi %parallel_loop3A_248, %broadcast_in_dim3A_135 : vector<16xi32>
        %parallel_loop3A_254 = vector.bitcast %parallel_loop3A_253 : vector<16xi32> to vector<16xf32>
        %parallel_loop3A_255 = arith.index_cast %parallel_loop3A_216 : i32 to index
        %parallel_loop3A_256 = arith.constant 32 : index
        %parallel_loop3A_257 = tpu.vector_load %arg14[%parallel_loop3A_255, %parallel_loop3A_256] {strides = array<i32>} : memref<80x128xf32, #tpu.memory_space<vmem>>, vector<16xf32>,
        %parallel_loop3A_258 = arith.addf %parallel_loop3A_257, %parallel_loop3A_252 : vector<16xf32>
        %parallel_loop3A_259 = arith.constant 0.000000e+00 : f32
        %parallel_loop3A_260 = vector.broadcast %parallel_loop3A_259 : f32 to vector<16xf32>
        %parallel_loop3A_261 = arith.maximumf %parallel_loop3A_258, %parallel_loop3A_260 : vector<16xf32>
        %parallel_loop3A_262 = arith.index_cast %parallel_loop3A_216 : i32 to index
        %parallel_loop3A_263 = arith.constant 32 : index
        %parallel_loop3A_264 = tpu.vector_load %arg14[%parallel_loop3A_262, %parallel_loop3A_263] {strides = array<i32>} : memref<80x128xf32, #tpu.memory_space<vmem>>, vector<16xf32>,
        tpu.vector_store %arg14[%parallel_loop3A_262, %parallel_loop3A_263], %parallel_loop3A_261 {strides = array<i32>} : memref<80x128xf32, #tpu.memory_space<vmem>>, vector<16xf32>,
        %parallel_loop3A_265 = arith.index_cast %parallel_loop3A_216 : i32 to index
        %parallel_loop3A_266 = arith.constant 48 : index
        %parallel_loop3A_267 = tpu.vector_load %arg14[%parallel_loop3A_265, %parallel_loop3A_266] {strides = array<i32>} : memref<80x128xf32, #tpu.memory_space<vmem>>, vector<16xf32>,
        %parallel_loop3A_268 = arith.addf %parallel_loop3A_267, %parallel_loop3A_254 : vector<16xf32>
        %parallel_loop3A_269 = arith.constant 0.000000e+00 : f32
        %parallel_loop3A_270 = vector.broadcast %parallel_loop3A_269 : f32 to vector<16xf32>
        %parallel_loop3A_271 = arith.maximumf %parallel_loop3A_268, %parallel_loop3A_270 : vector<16xf32>
        %parallel_loop3A_272 = arith.index_cast %parallel_loop3A_216 : i32 to index
        %parallel_loop3A_273 = arith.constant 48 : index
        %parallel_loop3A_274 = tpu.vector_load %arg14[%parallel_loop3A_272, %parallel_loop3A_273] {strides = array<i32>} : memref<80x128xf32, #tpu.memory_space<vmem>>, vector<16xf32>,
        tpu.vector_store %arg14[%parallel_loop3A_272, %parallel_loop3A_273], %parallel_loop3A_271 {strides = array<i32>} : memref<80x128xf32, #tpu.memory_space<vmem>>, vector<16xf32>,
        %parallel_loop3A_275 = arith.index_cast %parallel_loop3A_216 : i32 to index
        %parallel_loop3A_276 = arith.constant 32 : index
        %parallel_loop3A_277 = tpu.vector_load %arg16[%parallel_loop3A_275, %parallel_loop3A_276] {strides = array<i32>} : memref<80x64xi32, #tpu.memory_space<vmem>>, vector<16xi32>,
        %parallel_loop3A_278 = arith.constant 16 : i32
        %parallel_loop3A_279 = vector.broadcast %parallel_loop3A_278 : i32 to vector<16xi32>
        %parallel_loop3A_280 = arith.shli %parallel_loop3A_277, %parallel_loop3A_279 : vector<16xi32>
        %parallel_loop3A_281 = vector.bitcast %parallel_loop3A_280 : vector<16xi32> to vector<16xf32>
        %parallel_loop3A_282 = arith.andi %parallel_loop3A_277, %broadcast_in_dim3A_135 : vector<16xi32>
        %parallel_loop3A_283 = vector.bitcast %parallel_loop3A_282 : vector<16xi32> to vector<16xf32>
        %parallel_loop3A_284 = arith.index_cast %parallel_loop3A_216 : i32 to index
        %parallel_loop3A_285 = arith.constant 64 : index
        %parallel_loop3A_286 = tpu.vector_load %arg14[%parallel_loop3A_284, %parallel_loop3A_285] {strides = array<i32>} : memref<80x128xf32, #tpu.memory_space<vmem>>, vector<16xf32>,
        %parallel_loop3A_287 = arith.addf %parallel_loop3A_286, %parallel_loop3A_281 : vector<16xf32>
        %parallel_loop3A_288 = arith.constant 0.000000e+00 : f32
        %parallel_loop3A_289 = vector.broadcast %parallel_loop3A_288 : f32 to vector<16xf32>
        %parallel_loop3A_290 = arith.maximumf %parallel_loop3A_287, %parallel_loop3A_289 : vector<16xf32>
        %parallel_loop3A_291 = arith.index_cast %parallel_loop3A_216 : i32 to index
        %parallel_loop3A_292 = arith.constant 64 : index
        %parallel_loop3A_293 = tpu.vector_load %arg14[%parallel_loop3A_291, %parallel_loop3A_292] {strides = array<i32>} : memref<80x128xf32, #tpu.memory_space<vmem>>, vector<16xf32>,
        tpu.vector_store %arg14[%parallel_loop3A_291, %parallel_loop3A_292], %parallel_loop3A_290 {strides = array<i32>} : memref<80x128xf32, #tpu.memory_space<vmem>>, vector<16xf32>,
        %parallel_loop3A_294 = arith.index_cast %parallel_loop3A_216 : i32 to index
        %parallel_loop3A_295 = arith.constant 80 : index
        %parallel_loop3A_296 = tpu.vector_load %arg14[%parallel_loop3A_294, %parallel_loop3A_295] {strides = array<i32>} : memref<80x128xf32, #tpu.memory_space<vmem>>, vector<16xf32>,
        %parallel_loop3A_297 = arith.addf %parallel_loop3A_296, %parallel_loop3A_283 : vector<16xf32>
        %parallel_loop3A_298 = arith.constant 0.000000e+00 : f32
        %parallel_loop3A_299 = vector.broadcast %parallel_loop3A_298 : f32 to vector<16xf32>
        %parallel_loop3A_300 = arith.maximumf %parallel_loop3A_297, %parallel_loop3A_299 : vector<16xf32>
        %parallel_loop3A_301 = arith.index_cast %parallel_loop3A_216 : i32 to index
        %parallel_loop3A_302 = arith.constant 80 : index
        %parallel_loop3A_303 = tpu.vector_load %arg14[%parallel_loop3A_301, %parallel_loop3A_302] {strides = array<i32>} : memref<80x128xf32, #tpu.memory_space<vmem>>, vector<16xf32>,
        tpu.vector_store %arg14[%parallel_loop3A_301, %parallel_loop3A_302], %parallel_loop3A_300 {strides = array<i32>} : memref<80x128xf32, #tpu.memory_space<vmem>>, vector<16xf32>,
        %parallel_loop3A_304 = arith.index_cast %parallel_loop3A_216 : i32 to index
        %parallel_loop3A_305 = arith.constant 48 : index
        %parallel_loop3A_306 = tpu.vector_load %arg16[%parallel_loop3A_304, %parallel_loop3A_305] {strides = array<i32>} : memref<80x64xi32, #tpu.memory_space<vmem>>, vector<16xi32>,
        %parallel_loop3A_307 = arith.constant 16 : i32
        %parallel_loop3A_308 = vector.broadcast %parallel_loop3A_307 : i32 to vector<16xi32>
        %parallel_loop3A_309 = arith.shli %parallel_loop3A_306, %parallel_loop3A_308 : vector<16xi32>
        %parallel_loop3A_310 = vector.bitcast %parallel_loop3A_309 : vector<16xi32> to vector<16xf32>
        %parallel_loop3A_311 = arith.andi %parallel_loop3A_306, %broadcast_in_dim3A_135 : vector<16xi32>
        %parallel_loop3A_312 = vector.bitcast %parallel_loop3A_311 : vector<16xi32> to vector<16xf32>
        %parallel_loop3A_313 = arith.index_cast %parallel_loop3A_216 : i32 to index
        %parallel_loop3A_314 = arith.constant 96 : index
        %parallel_loop3A_315 = tpu.vector_load %arg14[%parallel_loop3A_313, %parallel_loop3A_314] {strides = array<i32>} : memref<80x128xf32, #tpu.memory_space<vmem>>, vector<16xf32>,
        %parallel_loop3A_316 = arith.addf %parallel_loop3A_315, %parallel_loop3A_310 : vector<16xf32>
        %parallel_loop3A_317 = arith.constant 0.000000e+00 : f32
        %parallel_loop3A_318 = vector.broadcast %parallel_loop3A_317 : f32 to vector<16xf32>
        %parallel_loop3A_319 = arith.maximumf %parallel_loop3A_316, %parallel_loop3A_318 : vector<16xf32>
        %parallel_loop3A_320 = arith.index_cast %parallel_loop3A_216 : i32 to index
        %parallel_loop3A_321 = arith.constant 96 : index
        %parallel_loop3A_322 = tpu.vector_load %arg14[%parallel_loop3A_320, %parallel_loop3A_321] {strides = array<i32>} : memref<80x128xf32, #tpu.memory_space<vmem>>, vector<16xf32>,
        tpu.vector_store %arg14[%parallel_loop3A_320, %parallel_loop3A_321], %parallel_loop3A_319 {strides = array<i32>} : memref<80x128xf32, #tpu.memory_space<vmem>>, vector<16xf32>,
        %parallel_loop3A_323 = arith.index_cast %parallel_loop3A_216 : i32 to index
        %parallel_loop3A_324 = arith.constant 112 : index
        %parallel_loop3A_325 = tpu.vector_load %arg14[%parallel_loop3A_323, %parallel_loop3A_324] {strides = array<i32>} : memref<80x128xf32, #tpu.memory_space<vmem>>, vector<16xf32>,
        %parallel_loop3A_326 = arith.addf %parallel_loop3A_325, %parallel_loop3A_312 : vector<16xf32>
        %parallel_loop3A_327 = arith.constant 0.000000e+00 : f32
        %parallel_loop3A_328 = vector.broadcast %parallel_loop3A_327 : f32 to vector<16xf32>
        %parallel_loop3A_329 = arith.maximumf %parallel_loop3A_326, %parallel_loop3A_328 : vector<16xf32>
        %parallel_loop3A_330 = arith.index_cast %parallel_loop3A_216 : i32 to index
        %parallel_loop3A_331 = arith.constant 112 : index
        %parallel_loop3A_332 = tpu.vector_load %arg14[%parallel_loop3A_330, %parallel_loop3A_331] {strides = array<i32>} : memref<80x128xf32, #tpu.memory_space<vmem>>, vector<16xf32>,
        tpu.vector_store %arg14[%parallel_loop3A_330, %parallel_loop3A_331], %parallel_loop3A_329 {strides = array<i32>} : memref<80x128xf32, #tpu.memory_space<vmem>>, vector<16xf32>,
      } {sc.loop_unroll_factor = 4 : i64, sc.parallel_access}
      %mul3A_139 = arith.constant 80 : i32
      %mul3A_140 = arith.muli %mul3A_84, %mul3A_139 : i32
      %add3A_141 = arith.addi %mul3A_2, %mul3A_140 : i32
      %multiple_of3A_142 = tpu.assume_multiple %add3A_141, 8 : i32
      %dma_wait3A_143 = tpu.memref_slice %arg4[%multiple_of3A_142] : memref<320000xi32, #tpu.memory_space<hbm>> -> memref<80xi32, #tpu.memory_space<hbm>>
      %dma_wait3A_144 = tpu.memref_slice %arg4[%multiple_of3A_142] : memref<320000xi32, #tpu.memory_space<hbm>> -> memref<80xi32, #tpu.memory_space<hbm>>
      tpu.wait_dma2 semaphore(%arg21 : memref<!tpu.dma_semaphore, #tpu.memory_space<semaphore_mem>>) src(%dma_wait3A_144 : memref<80xi32, #tpu.memory_space<hbm>>) dst(%arg10 : memref<80xi32, #tpu.memory_space<vmem>>)
      %dma_start3A_145 = arith.constant 0 : i32
      %dma_start3A_146 = arith.constant 0 : i32
      %dma_start3A_147 = tpu.memref_slice %arg18[%dma_start3A_145, %dma_start3A_146] : memref<10000x128xf32, #tpu.memory_space<vmem_shared>> -> memref<10000x128xf32, #tpu.memory_space<vmem_shared>>
      tpu.enqueue_indirect_dma source(%arg14 : memref<80x128xf32, #tpu.memory_space<vmem>>) target(%dma_start3A_147 : memref<10000x128xf32, #tpu.memory_space<vmem_shared>>) offsets(%arg10 : memref<80xi32, #tpu.memory_space<vmem>>) semaphore(%arg29 : memref<!tpu.dma_semaphore, #tpu.memory_space<semaphore_mem>>) {add = true}
      %mul3A_148 = arith.constant 2 : i32
      %mul3A_149 = arith.muli %mul3A_148, %scan3A_82 : i32
      %add3A_150 = arith.constant 1 : i32
      %add3A_151 = arith.addi %mul3A_149, %add3A_150 : i32
      %gt3A_152 = arith.constant 0 : i32
      %gt3A_153 = arith.cmpi sgt, %add3A_151, %gt3A_152 : i32
      %convert_element_type3A_154 = arith.extui %gt3A_153 : i1 to i32
      %cond3A_155 = arith.constant 0 : i32
      %cond3A_156 = arith.cmpi ne, %convert_element_type3A_154, %cond3A_155 : i32
      scf.if %cond3A_156 {
        %dma_wait3A_216 = arith.constant 0 : i32
        %dma_wait3A_217 = arith.constant 0 : i32
        %dma_wait3A_218 = tpu.memref_slice %arg18[%dma_wait3A_216, %dma_wait3A_217] : memref<10000x128xf32, #tpu.memory_space<vmem_shared>> -> memref<10000x128xf32, #tpu.memory_space<vmem_shared>>
        tpu.wait_indirect_dma semaphore(%arg29 : memref<!tpu.dma_semaphore, #tpu.memory_space<semaphore_mem>>) src(%arg14 : memref<80x128xf32, #tpu.memory_space<vmem>>) dst(%dma_wait3A_218 : memref<10000x128xf32, #tpu.memory_space<vmem_shared>>)
      } else {
      }
      %add3A_157 = arith.constant 1 : i32
      %add3A_158 = arith.addi %add3A_151, %add3A_157 : i32
      %mul3A_159 = arith.constant 80 : i32
      %mul3A_160 = arith.muli %add3A_158, %mul3A_159 : i32
      %add3A_161 = arith.addi %mul3A_2, %mul3A_160 : i32
      %multiple_of3A_162 = tpu.assume_multiple %add3A_161, 8 : i32
      %dma_wait3A_163 = tpu.memref_slice %arg3[%multiple_of3A_162] : memref<320000xi32, #tpu.memory_space<hbm>> -> memref<80xi32, #tpu.memory_space<hbm>>
      %dma_wait3A_164 = tpu.memref_slice %arg3[%multiple_of3A_162] : memref<320000xi32, #tpu.memory_space<hbm>> -> memref<80xi32, #tpu.memory_space<hbm>>
      tpu.wait_dma2 semaphore(%arg19 : memref<!tpu.dma_semaphore, #tpu.memory_space<semaphore_mem>>) src(%dma_wait3A_164 : memref<80xi32, #tpu.memory_space<hbm>>) dst(%arg8 : memref<80xi32, #tpu.memory_space<vmem>>)
      %dma_start3A_165 = arith.constant 0 : i32
      %dma_start3A_166 = arith.constant 0 : i32
      %dma_start3A_167 = tpu.memref_slice %arg2[%dma_start3A_165, %dma_start3A_166] : memref<10000x64xi32, #tpu.memory_space<hbm>> -> memref<10000x64xi32, #tpu.memory_space<hbm>>
      tpu.enqueue_indirect_dma source(%dma_start3A_167 : memref<10000x64xi32, #tpu.memory_space<hbm>>) target(%arg16 : memref<80x64xi32, #tpu.memory_space<vmem>>) offsets(%arg8 : memref<80xi32, #tpu.memory_space<vmem>>) semaphore(%arg27 : memref<!tpu.dma_semaphore, #tpu.memory_space<semaphore_mem>>)
      %add3A_168 = arith.constant 1 : i32
      %add3A_169 = arith.addi %add3A_151, %add3A_168 : i32
      %mul3A_170 = arith.constant 80 : i32
      %mul3A_171 = arith.muli %add3A_169, %mul3A_170 : i32
      %add3A_172 = arith.addi %mul3A_2, %mul3A_171 : i32
      %multiple_of3A_173 = tpu.assume_multiple %add3A_172, 8 : i32
      %dma_start3A_174 = arith.constant 0 : i32
      %dma_start3A_175 = tpu.memref_slice %arg5[%multiple_of3A_173, %dma_start3A_174] : memref<320000x128xf32, #tpu.memory_space<hbm>> -> memref<80x128xf32, #tpu.memory_space<hbm>>
      %dma_start3A_176 = arith.constant 0 : i32
      %dma_start3A_177 = tpu.memref_slice %arg5[%multiple_of3A_173, %dma_start3A_176] : memref<320000x128xf32, #tpu.memory_space<hbm>> -> memref<80x128xf32, #tpu.memory_space<hbm>>
      tpu.enqueue_dma source(%dma_start3A_177 : memref<80x128xf32, #tpu.memory_space<hbm>>) target(%arg14 : memref<80x128xf32, #tpu.memory_space<vmem>>) target_semaphore(%arg23 : memref<!tpu.dma_semaphore, #tpu.memory_space<semaphore_mem>>)
      %add3A_178 = arith.constant 1 : i32
      %add3A_179 = arith.addi %add3A_151, %add3A_178 : i32
      %mul3A_180 = arith.constant 80 : i32
      %mul3A_181 = arith.muli %add3A_179, %mul3A_180 : i32
      %add3A_182 = arith.addi %mul3A_2, %mul3A_181 : i32
      %multiple_of3A_183 = tpu.assume_multiple %add3A_182, 8 : i32
      %dma_start3A_184 = tpu.memref_slice %arg4[%multiple_of3A_183] : memref<320000xi32, #tpu.memory_space<hbm>> -> memref<80xi32, #tpu.memory_space<hbm>>
      %dma_start3A_185 = tpu.memref_slice %arg4[%multiple_of3A_183] : memref<320000xi32, #tpu.memory_space<hbm>> -> memref<80xi32, #tpu.memory_space<hbm>>
      tpu.enqueue_dma source(%dma_start3A_185 : memref<80xi32, #tpu.memory_space<hbm>>) target(%arg10 : memref<80xi32, #tpu.memory_space<vmem>>) target_semaphore(%arg21 : memref<!tpu.dma_semaphore, #tpu.memory_space<semaphore_mem>>)
      %dma_wait3A_186 = arith.constant 0 : i32
      %dma_wait3A_187 = arith.constant 0 : i32
      %dma_wait3A_188 = tpu.memref_slice %arg2[%dma_wait3A_186, %dma_wait3A_187] : memref<10000x64xi32, #tpu.memory_space<hbm>> -> memref<10000x64xi32, #tpu.memory_space<hbm>>
      tpu.wait_indirect_dma semaphore(%arg28 : memref<!tpu.dma_semaphore, #tpu.memory_space<semaphore_mem>>) src(%dma_wait3A_188 : memref<10000x64xi32, #tpu.memory_space<hbm>>) dst(%arg17 : memref<80x64xi32, #tpu.memory_space<vmem>>)
      %lt3A_189 = arith.constant 123 : i32
      %lt3A_190 = arith.cmpi slt, %add3A_151, %lt3A_189 : i32
      %convert_element_type3A_191 = arith.extui %lt3A_190 : i1 to i32
      %cond3A_192 = arith.constant 0 : i32
      %cond3A_193 = arith.cmpi ne, %convert_element_type3A_191, %cond3A_192 : i32
      scf.if %cond3A_193 {
        %add3A_216 = arith.constant 2 : i32
        %add3A_217 = arith.addi %add3A_151, %add3A_216 : i32
        %mul3A_218 = arith.constant 80 : i32
        %mul3A_219 = arith.muli %add3A_217, %mul3A_218 : i32
        %add3A_220 = arith.addi %mul3A_2, %mul3A_219 : i32
        %multiple_of3A_221 = tpu.assume_multiple %add3A_220, 8 : i32
        %dma_start3A_222 = tpu.memref_slice %arg3[%multiple_of3A_221] : memref<320000xi32, #tpu.memory_space<hbm>> -> memref<80xi32, #tpu.memory_space<hbm>>
        %dma_start3A_223 = tpu.memref_slice %arg3[%multiple_of3A_221] : memref<320000xi32, #tpu.memory_space<hbm>> -> memref<80xi32, #tpu.memory_space<hbm>>
        tpu.enqueue_dma source(%dma_start3A_223 : memref<80xi32, #tpu.memory_space<hbm>>) target(%arg9 : memref<80xi32, #tpu.memory_space<vmem>>) target_semaphore(%arg20 : memref<!tpu.dma_semaphore, #tpu.memory_space<semaphore_mem>>)
      } else {
      }
      %mul3A_194 = arith.constant 80 : i32
      %mul3A_195 = arith.muli %add3A_151, %mul3A_194 : i32
      %add3A_196 = arith.addi %mul3A_2, %mul3A_195 : i32
      %multiple_of3A_197 = tpu.assume_multiple %add3A_196, 8 : i32
      %dma_wait3A_198 = arith.constant 0 : i32
      %dma_wait3A_199 = tpu.memref_slice %arg5[%multiple_of3A_197, %dma_wait3A_198] : memref<320000x128xf32, #tpu.memory_space<hbm>> -> memref<80x128xf32, #tpu.memory_space<hbm>>
      %dma_wait3A_200 = arith.constant 0 : i32
      %dma_wait3A_201 = tpu.memref_slice %arg5[%multiple_of3A_197, %dma_wait3A_200] : memref<320000x128xf32, #tpu.memory_space<hbm>> -> memref<80x128xf32, #tpu.memory_space<hbm>>
      tpu.wait_dma2 semaphore(%arg24 : memref<!tpu.dma_semaphore, #tpu.memory_space<semaphore_mem>>) src(%dma_wait3A_201 : memref<80x128xf32, #tpu.memory_space<hbm>>) dst(%arg15 : memref<80x128xf32, #tpu.memory_space<vmem>>)
      %broadcast_in_dim3A_202 = arith.constant -65536 : i32
      %broadcast_in_dim3A_203 = vector.broadcast %broadcast_in_dim3A_202 : i32 to vector<16xi32>
      %parallel_loop3A_204 = arith.constant 0 : i32
      %parallel_loop3A_205 = arith.constant 80 : i32
      %parallel_loop3A_206 = arith.constant 1 : i32
      scf.for %parallel_loop3A_216 = %parallel_loop3A_204 to %parallel_loop3A_205 step %parallel_loop3A_206  : i32 {
        %parallel_loop3A_217 = arith.index_cast %parallel_loop3A_216 : i32 to index
        %parallel_loop3A_218 = arith.constant 0 : index
        %parallel_loop3A_219 = tpu.vector_load %arg17[%parallel_loop3A_217, %parallel_loop3A_218] {strides = array<i32>} : memref<80x64xi32, #tpu.memory_space<vmem>>, vector<16xi32>,
        %parallel_loop3A_220 = arith.constant 16 : i32
        %parallel_loop3A_221 = vector.broadcast %parallel_loop3A_220 : i32 to vector<16xi32>
        %parallel_loop3A_222 = arith.shli %parallel_loop3A_219, %parallel_loop3A_221 : vector<16xi32>
        %parallel_loop3A_223 = vector.bitcast %parallel_loop3A_222 : vector<16xi32> to vector<16xf32>
        %parallel_loop3A_224 = arith.andi %parallel_loop3A_219, %broadcast_in_dim3A_203 : vector<16xi32>
        %parallel_loop3A_225 = vector.bitcast %parallel_loop3A_224 : vector<16xi32> to vector<16xf32>
        %parallel_loop3A_226 = arith.index_cast %parallel_loop3A_216 : i32 to index
        %parallel_loop3A_227 = arith.constant 0 : index
        %parallel_loop3A_228 = tpu.vector_load %arg15[%parallel_loop3A_226, %parallel_loop3A_227] {strides = array<i32>} : memref<80x128xf32, #tpu.memory_space<vmem>>, vector<16xf32>,
        %parallel_loop3A_229 = arith.addf %parallel_loop3A_228, %parallel_loop3A_223 : vector<16xf32>
        %parallel_loop3A_230 = arith.constant 0.000000e+00 : f32
        %parallel_loop3A_231 = vector.broadcast %parallel_loop3A_230 : f32 to vector<16xf32>
        %parallel_loop3A_232 = arith.maximumf %parallel_loop3A_229, %parallel_loop3A_231 : vector<16xf32>
        %parallel_loop3A_233 = arith.index_cast %parallel_loop3A_216 : i32 to index
        %parallel_loop3A_234 = arith.constant 0 : index
        %parallel_loop3A_235 = tpu.vector_load %arg15[%parallel_loop3A_233, %parallel_loop3A_234] {strides = array<i32>} : memref<80x128xf32, #tpu.memory_space<vmem>>, vector<16xf32>,
        tpu.vector_store %arg15[%parallel_loop3A_233, %parallel_loop3A_234], %parallel_loop3A_232 {strides = array<i32>} : memref<80x128xf32, #tpu.memory_space<vmem>>, vector<16xf32>,
        %parallel_loop3A_236 = arith.index_cast %parallel_loop3A_216 : i32 to index
        %parallel_loop3A_237 = arith.constant 16 : index
        %parallel_loop3A_238 = tpu.vector_load %arg15[%parallel_loop3A_236, %parallel_loop3A_237] {strides = array<i32>} : memref<80x128xf32, #tpu.memory_space<vmem>>, vector<16xf32>,
        %parallel_loop3A_239 = arith.addf %parallel_loop3A_238, %parallel_loop3A_225 : vector<16xf32>
        %parallel_loop3A_240 = arith.constant 0.000000e+00 : f32
        %parallel_loop3A_241 = vector.broadcast %parallel_loop3A_240 : f32 to vector<16xf32>
        %parallel_loop3A_242 = arith.maximumf %parallel_loop3A_239, %parallel_loop3A_241 : vector<16xf32>
        %parallel_loop3A_243 = arith.index_cast %parallel_loop3A_216 : i32 to index
        %parallel_loop3A_244 = arith.constant 16 : index
        %parallel_loop3A_245 = tpu.vector_load %arg15[%parallel_loop3A_243, %parallel_loop3A_244] {strides = array<i32>} : memref<80x128xf32, #tpu.memory_space<vmem>>, vector<16xf32>,
        tpu.vector_store %arg15[%parallel_loop3A_243, %parallel_loop3A_244], %parallel_loop3A_242 {strides = array<i32>} : memref<80x128xf32, #tpu.memory_space<vmem>>, vector<16xf32>,
        %parallel_loop3A_246 = arith.index_cast %parallel_loop3A_216 : i32 to index
        %parallel_loop3A_247 = arith.constant 16 : index
        %parallel_loop3A_248 = tpu.vector_load %arg17[%parallel_loop3A_246, %parallel_loop3A_247] {strides = array<i32>} : memref<80x64xi32, #tpu.memory_space<vmem>>, vector<16xi32>,
        %parallel_loop3A_249 = arith.constant 16 : i32
        %parallel_loop3A_250 = vector.broadcast %parallel_loop3A_249 : i32 to vector<16xi32>
        %parallel_loop3A_251 = arith.shli %parallel_loop3A_248, %parallel_loop3A_250 : vector<16xi32>
        %parallel_loop3A_252 = vector.bitcast %parallel_loop3A_251 : vector<16xi32> to vector<16xf32>
        %parallel_loop3A_253 = arith.andi %parallel_loop3A_248, %broadcast_in_dim3A_203 : vector<16xi32>
        %parallel_loop3A_254 = vector.bitcast %parallel_loop3A_253 : vector<16xi32> to vector<16xf32>
        %parallel_loop3A_255 = arith.index_cast %parallel_loop3A_216 : i32 to index
        %parallel_loop3A_256 = arith.constant 32 : index
        %parallel_loop3A_257 = tpu.vector_load %arg15[%parallel_loop3A_255, %parallel_loop3A_256] {strides = array<i32>} : memref<80x128xf32, #tpu.memory_space<vmem>>, vector<16xf32>,
        %parallel_loop3A_258 = arith.addf %parallel_loop3A_257, %parallel_loop3A_252 : vector<16xf32>
        %parallel_loop3A_259 = arith.constant 0.000000e+00 : f32
        %parallel_loop3A_260 = vector.broadcast %parallel_loop3A_259 : f32 to vector<16xf32>
        %parallel_loop3A_261 = arith.maximumf %parallel_loop3A_258, %parallel_loop3A_260 : vector<16xf32>
        %parallel_loop3A_262 = arith.index_cast %parallel_loop3A_216 : i32 to index
        %parallel_loop3A_263 = arith.constant 32 : index
        %parallel_loop3A_264 = tpu.vector_load %arg15[%parallel_loop3A_262, %parallel_loop3A_263] {strides = array<i32>} : memref<80x128xf32, #tpu.memory_space<vmem>>, vector<16xf32>,
        tpu.vector_store %arg15[%parallel_loop3A_262, %parallel_loop3A_263], %parallel_loop3A_261 {strides = array<i32>} : memref<80x128xf32, #tpu.memory_space<vmem>>, vector<16xf32>,
        %parallel_loop3A_265 = arith.index_cast %parallel_loop3A_216 : i32 to index
        %parallel_loop3A_266 = arith.constant 48 : index
        %parallel_loop3A_267 = tpu.vector_load %arg15[%parallel_loop3A_265, %parallel_loop3A_266] {strides = array<i32>} : memref<80x128xf32, #tpu.memory_space<vmem>>, vector<16xf32>,
        %parallel_loop3A_268 = arith.addf %parallel_loop3A_267, %parallel_loop3A_254 : vector<16xf32>
        %parallel_loop3A_269 = arith.constant 0.000000e+00 : f32
        %parallel_loop3A_270 = vector.broadcast %parallel_loop3A_269 : f32 to vector<16xf32>
        %parallel_loop3A_271 = arith.maximumf %parallel_loop3A_268, %parallel_loop3A_270 : vector<16xf32>
        %parallel_loop3A_272 = arith.index_cast %parallel_loop3A_216 : i32 to index
        %parallel_loop3A_273 = arith.constant 48 : index
        %parallel_loop3A_274 = tpu.vector_load %arg15[%parallel_loop3A_272, %parallel_loop3A_273] {strides = array<i32>} : memref<80x128xf32, #tpu.memory_space<vmem>>, vector<16xf32>,
        tpu.vector_store %arg15[%parallel_loop3A_272, %parallel_loop3A_273], %parallel_loop3A_271 {strides = array<i32>} : memref<80x128xf32, #tpu.memory_space<vmem>>, vector<16xf32>,
        %parallel_loop3A_275 = arith.index_cast %parallel_loop3A_216 : i32 to index
        %parallel_loop3A_276 = arith.constant 32 : index
        %parallel_loop3A_277 = tpu.vector_load %arg17[%parallel_loop3A_275, %parallel_loop3A_276] {strides = array<i32>} : memref<80x64xi32, #tpu.memory_space<vmem>>, vector<16xi32>,
        %parallel_loop3A_278 = arith.constant 16 : i32
        %parallel_loop3A_279 = vector.broadcast %parallel_loop3A_278 : i32 to vector<16xi32>
        %parallel_loop3A_280 = arith.shli %parallel_loop3A_277, %parallel_loop3A_279 : vector<16xi32>
        %parallel_loop3A_281 = vector.bitcast %parallel_loop3A_280 : vector<16xi32> to vector<16xf32>
        %parallel_loop3A_282 = arith.andi %parallel_loop3A_277, %broadcast_in_dim3A_203 : vector<16xi32>
        %parallel_loop3A_283 = vector.bitcast %parallel_loop3A_282 : vector<16xi32> to vector<16xf32>
        %parallel_loop3A_284 = arith.index_cast %parallel_loop3A_216 : i32 to index
        %parallel_loop3A_285 = arith.constant 64 : index
        %parallel_loop3A_286 = tpu.vector_load %arg15[%parallel_loop3A_284, %parallel_loop3A_285] {strides = array<i32>} : memref<80x128xf32, #tpu.memory_space<vmem>>, vector<16xf32>,
        %parallel_loop3A_287 = arith.addf %parallel_loop3A_286, %parallel_loop3A_281 : vector<16xf32>
        %parallel_loop3A_288 = arith.constant 0.000000e+00 : f32
        %parallel_loop3A_289 = vector.broadcast %parallel_loop3A_288 : f32 to vector<16xf32>
        %parallel_loop3A_290 = arith.maximumf %parallel_loop3A_287, %parallel_loop3A_289 : vector<16xf32>
        %parallel_loop3A_291 = arith.index_cast %parallel_loop3A_216 : i32 to index
        %parallel_loop3A_292 = arith.constant 64 : index
        %parallel_loop3A_293 = tpu.vector_load %arg15[%parallel_loop3A_291, %parallel_loop3A_292] {strides = array<i32>} : memref<80x128xf32, #tpu.memory_space<vmem>>, vector<16xf32>,
        tpu.vector_store %arg15[%parallel_loop3A_291, %parallel_loop3A_292], %parallel_loop3A_290 {strides = array<i32>} : memref<80x128xf32, #tpu.memory_space<vmem>>, vector<16xf32>,
        %parallel_loop3A_294 = arith.index_cast %parallel_loop3A_216 : i32 to index
        %parallel_loop3A_295 = arith.constant 80 : index
        %parallel_loop3A_296 = tpu.vector_load %arg15[%parallel_loop3A_294, %parallel_loop3A_295] {strides = array<i32>} : memref<80x128xf32, #tpu.memory_space<vmem>>, vector<16xf32>,
        %parallel_loop3A_297 = arith.addf %parallel_loop3A_296, %parallel_loop3A_283 : vector<16xf32>
        %parallel_loop3A_298 = arith.constant 0.000000e+00 : f32
        %parallel_loop3A_299 = vector.broadcast %parallel_loop3A_298 : f32 to vector<16xf32>
        %parallel_loop3A_300 = arith.maximumf %parallel_loop3A_297, %parallel_loop3A_299 : vector<16xf32>
        %parallel_loop3A_301 = arith.index_cast %parallel_loop3A_216 : i32 to index
        %parallel_loop3A_302 = arith.constant 80 : index
        %parallel_loop3A_303 = tpu.vector_load %arg15[%parallel_loop3A_301, %parallel_loop3A_302] {strides = array<i32>} : memref<80x128xf32, #tpu.memory_space<vmem>>, vector<16xf32>,
        tpu.vector_store %arg15[%parallel_loop3A_301, %parallel_loop3A_302], %parallel_loop3A_300 {strides = array<i32>} : memref<80x128xf32, #tpu.memory_space<vmem>>, vector<16xf32>,
        %parallel_loop3A_304 = arith.index_cast %parallel_loop3A_216 : i32 to index
        %parallel_loop3A_305 = arith.constant 48 : index
        %parallel_loop3A_306 = tpu.vector_load %arg17[%parallel_loop3A_304, %parallel_loop3A_305] {strides = array<i32>} : memref<80x64xi32, #tpu.memory_space<vmem>>, vector<16xi32>,
        %parallel_loop3A_307 = arith.constant 16 : i32
        %parallel_loop3A_308 = vector.broadcast %parallel_loop3A_307 : i32 to vector<16xi32>
        %parallel_loop3A_309 = arith.shli %parallel_loop3A_306, %parallel_loop3A_308 : vector<16xi32>
        %parallel_loop3A_310 = vector.bitcast %parallel_loop3A_309 : vector<16xi32> to vector<16xf32>
        %parallel_loop3A_311 = arith.andi %parallel_loop3A_306, %broadcast_in_dim3A_203 : vector<16xi32>
        %parallel_loop3A_312 = vector.bitcast %parallel_loop3A_311 : vector<16xi32> to vector<16xf32>
        %parallel_loop3A_313 = arith.index_cast %parallel_loop3A_216 : i32 to index
        %parallel_loop3A_314 = arith.constant 96 : index
        %parallel_loop3A_315 = tpu.vector_load %arg15[%parallel_loop3A_313, %parallel_loop3A_314] {strides = array<i32>} : memref<80x128xf32, #tpu.memory_space<vmem>>, vector<16xf32>,
        %parallel_loop3A_316 = arith.addf %parallel_loop3A_315, %parallel_loop3A_310 : vector<16xf32>
        %parallel_loop3A_317 = arith.constant 0.000000e+00 : f32
        %parallel_loop3A_318 = vector.broadcast %parallel_loop3A_317 : f32 to vector<16xf32>
        %parallel_loop3A_319 = arith.maximumf %parallel_loop3A_316, %parallel_loop3A_318 : vector<16xf32>
        %parallel_loop3A_320 = arith.index_cast %parallel_loop3A_216 : i32 to index
        %parallel_loop3A_321 = arith.constant 96 : index
        %parallel_loop3A_322 = tpu.vector_load %arg15[%parallel_loop3A_320, %parallel_loop3A_321] {strides = array<i32>} : memref<80x128xf32, #tpu.memory_space<vmem>>, vector<16xf32>,
        tpu.vector_store %arg15[%parallel_loop3A_320, %parallel_loop3A_321], %parallel_loop3A_319 {strides = array<i32>} : memref<80x128xf32, #tpu.memory_space<vmem>>, vector<16xf32>,
        %parallel_loop3A_323 = arith.index_cast %parallel_loop3A_216 : i32 to index
        %parallel_loop3A_324 = arith.constant 112 : index
        %parallel_loop3A_325 = tpu.vector_load %arg15[%parallel_loop3A_323, %parallel_loop3A_324] {strides = array<i32>} : memref<80x128xf32, #tpu.memory_space<vmem>>, vector<16xf32>,
        %parallel_loop3A_326 = arith.addf %parallel_loop3A_325, %parallel_loop3A_312 : vector<16xf32>
        %parallel_loop3A_327 = arith.constant 0.000000e+00 : f32
        %parallel_loop3A_328 = vector.broadcast %parallel_loop3A_327 : f32 to vector<16xf32>
        %parallel_loop3A_329 = arith.maximumf %parallel_loop3A_326, %parallel_loop3A_328 : vector<16xf32>
        %parallel_loop3A_330 = arith.index_cast %parallel_loop3A_216 : i32 to index
        %parallel_loop3A_331 = arith.constant 112 : index
        %parallel_loop3A_332 = tpu.vector_load %arg15[%parallel_loop3A_330, %parallel_loop3A_331] {strides = array<i32>} : memref<80x128xf32, #tpu.memory_space<vmem>>, vector<16xf32>,
        tpu.vector_store %arg15[%parallel_loop3A_330, %parallel_loop3A_331], %parallel_loop3A_329 {strides = array<i32>} : memref<80x128xf32, #tpu.memory_space<vmem>>, vector<16xf32>,
      } {sc.loop_unroll_factor = 4 : i64, sc.parallel_access}
      %mul3A_207 = arith.constant 80 : i32
      %mul3A_208 = arith.muli %add3A_151, %mul3A_207 : i32
      %add3A_209 = arith.addi %mul3A_2, %mul3A_208 : i32
      %multiple_of3A_210 = tpu.assume_multiple %add3A_209, 8 : i32
      %dma_wait3A_211 = tpu.memref_slice %arg4[%multiple_of3A_210] : memref<320000xi32, #tpu.memory_space<hbm>> -> memref<80xi32, #tpu.memory_space<hbm>>
      %dma_wait3A_212 = tpu.memref_slice %arg4[%multiple_of3A_210] : memref<320000xi32, #tpu.memory_space<hbm>> -> memref<80xi32, #tpu.memory_space<hbm>>
      tpu.wait_dma2 semaphore(%arg22 : memref<!tpu.dma_semaphore, #tpu.memory_space<semaphore_mem>>) src(%dma_wait3A_212 : memref<80xi32, #tpu.memory_space<hbm>>) dst(%arg11 : memref<80xi32, #tpu.memory_space<vmem>>)
      %dma_start3A_213 = arith.constant 0 : i32
      %dma_start3A_214 = arith.constant 0 : i32
      %dma_start3A_215 = tpu.memref_slice %arg18[%dma_start3A_213, %dma_start3A_214] : memref<10000x128xf32, #tpu.memory_space<vmem_shared>> -> memref<10000x128xf32, #tpu.memory_space<vmem_shared>>
      tpu.enqueue_indirect_dma source(%arg15 : memref<80x128xf32, #tpu.memory_space<vmem>>) target(%dma_start3A_215 : memref<10000x128xf32, #tpu.memory_space<vmem_shared>>) offsets(%arg11 : memref<80xi32, #tpu.memory_space<vmem>>) semaphore(%arg30 : memref<!tpu.dma_semaphore, #tpu.memory_space<semaphore_mem>>) {add = true}
    }
    %scan3A_43 = arith.constant 62 : i32
    %dma_wait3A_44 = arith.constant 0 : i32
    %dma_wait3A_45 = arith.constant 0 : i32
    %dma_wait3A_46 = tpu.memref_slice %arg18[%dma_wait3A_44, %dma_wait3A_45] : memref<10000x128xf32, #tpu.memory_space<vmem_shared>> -> memref<10000x128xf32, #tpu.memory_space<vmem_shared>>
    tpu.wait_indirect_dma semaphore(%arg30 : memref<!tpu.dma_semaphore, #tpu.memory_space<semaphore_mem>>) src(%arg15 : memref<80x128xf32, #tpu.memory_space<vmem>>) dst(%dma_wait3A_46 : memref<10000x128xf32, #tpu.memory_space<vmem_shared>>)
    %dma_wait3A_47 = arith.constant 0 : i32
    %dma_wait3A_48 = arith.constant 0 : i32
    %dma_wait3A_49 = tpu.memref_slice %arg2[%dma_wait3A_47, %dma_wait3A_48] : memref<10000x64xi32, #tpu.memory_space<hbm>> -> memref<10000x64xi32, #tpu.memory_space<hbm>>
    tpu.wait_indirect_dma semaphore(%arg27 : memref<!tpu.dma_semaphore, #tpu.memory_space<semaphore_mem>>) src(%dma_wait3A_49 : memref<10000x64xi32, #tpu.memory_space<hbm>>) dst(%arg16 : memref<80x64xi32, #tpu.memory_space<vmem>>)
    %add3A_50 = arith.constant 9920 : i32
    %add3A_51 = arith.addi %mul3A_2, %add3A_50 : i32
    %multiple_of3A_52 = tpu.assume_multiple %add3A_51, 8 : i32
    %dma_wait3A_53 = arith.constant 0 : i32
    %dma_wait3A_54 = tpu.memref_slice %arg5[%multiple_of3A_52, %dma_wait3A_53] : memref<320000x128xf32, #tpu.memory_space<hbm>> -> memref<80x128xf32, #tpu.memory_space<hbm>>
    %dma_wait3A_55 = arith.constant 0 : i32
    %dma_wait3A_56 = tpu.memref_slice %arg5[%multiple_of3A_52, %dma_wait3A_55] : memref<320000x128xf32, #tpu.memory_space<hbm>> -> memref<80x128xf32, #tpu.memory_space<hbm>>
    tpu.wait_dma2 semaphore(%arg23 : memref<!tpu.dma_semaphore, #tpu.memory_space<semaphore_mem>>) src(%dma_wait3A_56 : memref<80x128xf32, #tpu.memory_space<hbm>>) dst(%arg14 : memref<80x128xf32, #tpu.memory_space<vmem>>)
    %broadcast_in_dim3A = arith.constant -65536 : i32
    %broadcast_in_dim3A_57 = vector.broadcast %broadcast_in_dim3A : i32 to vector<16xi32>
    %parallel_loop3A = arith.constant 0 : i32
    %parallel_loop3A_58 = arith.constant 80 : i32
    %parallel_loop3A_59 = arith.constant 1 : i32
    scf.for %parallel_loop3A_82 = %parallel_loop3A to %parallel_loop3A_58 step %parallel_loop3A_59  : i32 {
      %parallel_loop3A_83 = arith.index_cast %parallel_loop3A_82 : i32 to index
      %parallel_loop3A_84 = arith.constant 0 : index
      %parallel_loop3A_85 = tpu.vector_load %arg16[%parallel_loop3A_83, %parallel_loop3A_84] {strides = array<i32>} : memref<80x64xi32, #tpu.memory_space<vmem>>, vector<16xi32>,
      %parallel_loop3A_86 = arith.constant 16 : i32
      %parallel_loop3A_87 = vector.broadcast %parallel_loop3A_86 : i32 to vector<16xi32>
      %parallel_loop3A_88 = arith.shli %parallel_loop3A_85, %parallel_loop3A_87 : vector<16xi32>
      %parallel_loop3A_89 = vector.bitcast %parallel_loop3A_88 : vector<16xi32> to vector<16xf32>
      %parallel_loop3A_90 = arith.andi %parallel_loop3A_85, %broadcast_in_dim3A_57 : vector<16xi32>
      %parallel_loop3A_91 = vector.bitcast %parallel_loop3A_90 : vector<16xi32> to vector<16xf32>
      %parallel_loop3A_92 = arith.index_cast %parallel_loop3A_82 : i32 to index
      %parallel_loop3A_93 = arith.constant 0 : index
      %parallel_loop3A_94 = tpu.vector_load %arg14[%parallel_loop3A_92, %parallel_loop3A_93] {strides = array<i32>} : memref<80x128xf32, #tpu.memory_space<vmem>>, vector<16xf32>,
      %parallel_loop3A_95 = arith.addf %parallel_loop3A_94, %parallel_loop3A_89 : vector<16xf32>
      %parallel_loop3A_96 = arith.constant 0.000000e+00 : f32
      %parallel_loop3A_97 = vector.broadcast %parallel_loop3A_96 : f32 to vector<16xf32>
      %parallel_loop3A_98 = arith.maximumf %parallel_loop3A_95, %parallel_loop3A_97 : vector<16xf32>
      %parallel_loop3A_99 = arith.index_cast %parallel_loop3A_82 : i32 to index
      %parallel_loop3A_100 = arith.constant 0 : index
      %parallel_loop3A_101 = tpu.vector_load %arg14[%parallel_loop3A_99, %parallel_loop3A_100] {strides = array<i32>} : memref<80x128xf32, #tpu.memory_space<vmem>>, vector<16xf32>,
      tpu.vector_store %arg14[%parallel_loop3A_99, %parallel_loop3A_100], %parallel_loop3A_98 {strides = array<i32>} : memref<80x128xf32, #tpu.memory_space<vmem>>, vector<16xf32>,
      %parallel_loop3A_102 = arith.index_cast %parallel_loop3A_82 : i32 to index
      %parallel_loop3A_103 = arith.constant 16 : index
      %parallel_loop3A_104 = tpu.vector_load %arg14[%parallel_loop3A_102, %parallel_loop3A_103] {strides = array<i32>} : memref<80x128xf32, #tpu.memory_space<vmem>>, vector<16xf32>,
      %parallel_loop3A_105 = arith.addf %parallel_loop3A_104, %parallel_loop3A_91 : vector<16xf32>
      %parallel_loop3A_106 = arith.constant 0.000000e+00 : f32
      %parallel_loop3A_107 = vector.broadcast %parallel_loop3A_106 : f32 to vector<16xf32>
      %parallel_loop3A_108 = arith.maximumf %parallel_loop3A_105, %parallel_loop3A_107 : vector<16xf32>
      %parallel_loop3A_109 = arith.index_cast %parallel_loop3A_82 : i32 to index
      %parallel_loop3A_110 = arith.constant 16 : index
      %parallel_loop3A_111 = tpu.vector_load %arg14[%parallel_loop3A_109, %parallel_loop3A_110] {strides = array<i32>} : memref<80x128xf32, #tpu.memory_space<vmem>>, vector<16xf32>,
      tpu.vector_store %arg14[%parallel_loop3A_109, %parallel_loop3A_110], %parallel_loop3A_108 {strides = array<i32>} : memref<80x128xf32, #tpu.memory_space<vmem>>, vector<16xf32>,
      %parallel_loop3A_112 = arith.index_cast %parallel_loop3A_82 : i32 to index
      %parallel_loop3A_113 = arith.constant 16 : index
      %parallel_loop3A_114 = tpu.vector_load %arg16[%parallel_loop3A_112, %parallel_loop3A_113] {strides = array<i32>} : memref<80x64xi32, #tpu.memory_space<vmem>>, vector<16xi32>,
      %parallel_loop3A_115 = arith.constant 16 : i32
      %parallel_loop3A_116 = vector.broadcast %parallel_loop3A_115 : i32 to vector<16xi32>
      %parallel_loop3A_117 = arith.shli %parallel_loop3A_114, %parallel_loop3A_116 : vector<16xi32>
      %parallel_loop3A_118 = vector.bitcast %parallel_loop3A_117 : vector<16xi32> to vector<16xf32>
      %parallel_loop3A_119 = arith.andi %parallel_loop3A_114, %broadcast_in_dim3A_57 : vector<16xi32>
      %parallel_loop3A_120 = vector.bitcast %parallel_loop3A_119 : vector<16xi32> to vector<16xf32>
      %parallel_loop3A_121 = arith.index_cast %parallel_loop3A_82 : i32 to index
      %parallel_loop3A_122 = arith.constant 32 : index
      %parallel_loop3A_123 = tpu.vector_load %arg14[%parallel_loop3A_121, %parallel_loop3A_122] {strides = array<i32>} : memref<80x128xf32, #tpu.memory_space<vmem>>, vector<16xf32>,
      %parallel_loop3A_124 = arith.addf %parallel_loop3A_123, %parallel_loop3A_118 : vector<16xf32>
      %parallel_loop3A_125 = arith.constant 0.000000e+00 : f32
      %parallel_loop3A_126 = vector.broadcast %parallel_loop3A_125 : f32 to vector<16xf32>
      %parallel_loop3A_127 = arith.maximumf %parallel_loop3A_124, %parallel_loop3A_126 : vector<16xf32>
      %parallel_loop3A_128 = arith.index_cast %parallel_loop3A_82 : i32 to index
      %parallel_loop3A_129 = arith.constant 32 : index
      %parallel_loop3A_130 = tpu.vector_load %arg14[%parallel_loop3A_128, %parallel_loop3A_129] {strides = array<i32>} : memref<80x128xf32, #tpu.memory_space<vmem>>, vector<16xf32>,
      tpu.vector_store %arg14[%parallel_loop3A_128, %parallel_loop3A_129], %parallel_loop3A_127 {strides = array<i32>} : memref<80x128xf32, #tpu.memory_space<vmem>>, vector<16xf32>,
      %parallel_loop3A_131 = arith.index_cast %parallel_loop3A_82 : i32 to index
      %parallel_loop3A_132 = arith.constant 48 : index
      %parallel_loop3A_133 = tpu.vector_load %arg14[%parallel_loop3A_131, %parallel_loop3A_132] {strides = array<i32>} : memref<80x128xf32, #tpu.memory_space<vmem>>, vector<16xf32>,
      %parallel_loop3A_134 = arith.addf %parallel_loop3A_133, %parallel_loop3A_120 : vector<16xf32>
      %parallel_loop3A_135 = arith.constant 0.000000e+00 : f32
      %parallel_loop3A_136 = vector.broadcast %parallel_loop3A_135 : f32 to vector<16xf32>
      %parallel_loop3A_137 = arith.maximumf %parallel_loop3A_134, %parallel_loop3A_136 : vector<16xf32>
      %parallel_loop3A_138 = arith.index_cast %parallel_loop3A_82 : i32 to index
      %parallel_loop3A_139 = arith.constant 48 : index
      %parallel_loop3A_140 = tpu.vector_load %arg14[%parallel_loop3A_138, %parallel_loop3A_139] {strides = array<i32>} : memref<80x128xf32, #tpu.memory_space<vmem>>, vector<16xf32>,
      tpu.vector_store %arg14[%parallel_loop3A_138, %parallel_loop3A_139], %parallel_loop3A_137 {strides = array<i32>} : memref<80x128xf32, #tpu.memory_space<vmem>>, vector<16xf32>,
      %parallel_loop3A_141 = arith.index_cast %parallel_loop3A_82 : i32 to index
      %parallel_loop3A_142 = arith.constant 32 : index
      %parallel_loop3A_143 = tpu.vector_load %arg16[%parallel_loop3A_141, %parallel_loop3A_142] {strides = array<i32>} : memref<80x64xi32, #tpu.memory_space<vmem>>, vector<16xi32>,
      %parallel_loop3A_144 = arith.constant 16 : i32
      %parallel_loop3A_145 = vector.broadcast %parallel_loop3A_144 : i32 to vector<16xi32>
      %parallel_loop3A_146 = arith.shli %parallel_loop3A_143, %parallel_loop3A_145 : vector<16xi32>
      %parallel_loop3A_147 = vector.bitcast %parallel_loop3A_146 : vector<16xi32> to vector<16xf32>
      %parallel_loop3A_148 = arith.andi %parallel_loop3A_143, %broadcast_in_dim3A_57 : vector<16xi32>
      %parallel_loop3A_149 = vector.bitcast %parallel_loop3A_148 : vector<16xi32> to vector<16xf32>
      %parallel_loop3A_150 = arith.index_cast %parallel_loop3A_82 : i32 to index
      %parallel_loop3A_151 = arith.constant 64 : index
      %parallel_loop3A_152 = tpu.vector_load %arg14[%parallel_loop3A_150, %parallel_loop3A_151] {strides = array<i32>} : memref<80x128xf32, #tpu.memory_space<vmem>>, vector<16xf32>,
      %parallel_loop3A_153 = arith.addf %parallel_loop3A_152, %parallel_loop3A_147 : vector<16xf32>
      %parallel_loop3A_154 = arith.constant 0.000000e+00 : f32
      %parallel_loop3A_155 = vector.broadcast %parallel_loop3A_154 : f32 to vector<16xf32>
      %parallel_loop3A_156 = arith.maximumf %parallel_loop3A_153, %parallel_loop3A_155 : vector<16xf32>
      %parallel_loop3A_157 = arith.index_cast %parallel_loop3A_82 : i32 to index
      %parallel_loop3A_158 = arith.constant 64 : index
      %parallel_loop3A_159 = tpu.vector_load %arg14[%parallel_loop3A_157, %parallel_loop3A_158] {strides = array<i32>} : memref<80x128xf32, #tpu.memory_space<vmem>>, vector<16xf32>,
      tpu.vector_store %arg14[%parallel_loop3A_157, %parallel_loop3A_158], %parallel_loop3A_156 {strides = array<i32>} : memref<80x128xf32, #tpu.memory_space<vmem>>, vector<16xf32>,
      %parallel_loop3A_160 = arith.index_cast %parallel_loop3A_82 : i32 to index
      %parallel_loop3A_161 = arith.constant 80 : index
      %parallel_loop3A_162 = tpu.vector_load %arg14[%parallel_loop3A_160, %parallel_loop3A_161] {strides = array<i32>} : memref<80x128xf32, #tpu.memory_space<vmem>>, vector<16xf32>,
      %parallel_loop3A_163 = arith.addf %parallel_loop3A_162, %parallel_loop3A_149 : vector<16xf32>
      %parallel_loop3A_164 = arith.constant 0.000000e+00 : f32
      %parallel_loop3A_165 = vector.broadcast %parallel_loop3A_164 : f32 to vector<16xf32>
      %parallel_loop3A_166 = arith.maximumf %parallel_loop3A_163, %parallel_loop3A_165 : vector<16xf32>
      %parallel_loop3A_167 = arith.index_cast %parallel_loop3A_82 : i32 to index
      %parallel_loop3A_168 = arith.constant 80 : index
      %parallel_loop3A_169 = tpu.vector_load %arg14[%parallel_loop3A_167, %parallel_loop3A_168] {strides = array<i32>} : memref<80x128xf32, #tpu.memory_space<vmem>>, vector<16xf32>,
      tpu.vector_store %arg14[%parallel_loop3A_167, %parallel_loop3A_168], %parallel_loop3A_166 {strides = array<i32>} : memref<80x128xf32, #tpu.memory_space<vmem>>, vector<16xf32>,
      %parallel_loop3A_170 = arith.index_cast %parallel_loop3A_82 : i32 to index
      %parallel_loop3A_171 = arith.constant 48 : index
      %parallel_loop3A_172 = tpu.vector_load %arg16[%parallel_loop3A_170, %parallel_loop3A_171] {strides = array<i32>} : memref<80x64xi32, #tpu.memory_space<vmem>>, vector<16xi32>,
      %parallel_loop3A_173 = arith.constant 16 : i32
      %parallel_loop3A_174 = vector.broadcast %parallel_loop3A_173 : i32 to vector<16xi32>
      %parallel_loop3A_175 = arith.shli %parallel_loop3A_172, %parallel_loop3A_174 : vector<16xi32>
      %parallel_loop3A_176 = vector.bitcast %parallel_loop3A_175 : vector<16xi32> to vector<16xf32>
      %parallel_loop3A_177 = arith.andi %parallel_loop3A_172, %broadcast_in_dim3A_57 : vector<16xi32>
      %parallel_loop3A_178 = vector.bitcast %parallel_loop3A_177 : vector<16xi32> to vector<16xf32>
      %parallel_loop3A_179 = arith.index_cast %parallel_loop3A_82 : i32 to index
      %parallel_loop3A_180 = arith.constant 96 : index
      %parallel_loop3A_181 = tpu.vector_load %arg14[%parallel_loop3A_179, %parallel_loop3A_180] {strides = array<i32>} : memref<80x128xf32, #tpu.memory_space<vmem>>, vector<16xf32>,
      %parallel_loop3A_182 = arith.addf %parallel_loop3A_181, %parallel_loop3A_176 : vector<16xf32>
      %parallel_loop3A_183 = arith.constant 0.000000e+00 : f32
      %parallel_loop3A_184 = vector.broadcast %parallel_loop3A_183 : f32 to vector<16xf32>
      %parallel_loop3A_185 = arith.maximumf %parallel_loop3A_182, %parallel_loop3A_184 : vector<16xf32>
      %parallel_loop3A_186 = arith.index_cast %parallel_loop3A_82 : i32 to index
      %parallel_loop3A_187 = arith.constant 96 : index
      %parallel_loop3A_188 = tpu.vector_load %arg14[%parallel_loop3A_186, %parallel_loop3A_187] {strides = array<i32>} : memref<80x128xf32, #tpu.memory_space<vmem>>, vector<16xf32>,
      tpu.vector_store %arg14[%parallel_loop3A_186, %parallel_loop3A_187], %parallel_loop3A_185 {strides = array<i32>} : memref<80x128xf32, #tpu.memory_space<vmem>>, vector<16xf32>,
      %parallel_loop3A_189 = arith.index_cast %parallel_loop3A_82 : i32 to index
      %parallel_loop3A_190 = arith.constant 112 : index
      %parallel_loop3A_191 = tpu.vector_load %arg14[%parallel_loop3A_189, %parallel_loop3A_190] {strides = array<i32>} : memref<80x128xf32, #tpu.memory_space<vmem>>, vector<16xf32>,
      %parallel_loop3A_192 = arith.addf %parallel_loop3A_191, %parallel_loop3A_178 : vector<16xf32>
      %parallel_loop3A_193 = arith.constant 0.000000e+00 : f32
      %parallel_loop3A_194 = vector.broadcast %parallel_loop3A_193 : f32 to vector<16xf32>
      %parallel_loop3A_195 = arith.maximumf %parallel_loop3A_192, %parallel_loop3A_194 : vector<16xf32>
      %parallel_loop3A_196 = arith.index_cast %parallel_loop3A_82 : i32 to index
      %parallel_loop3A_197 = arith.constant 112 : index
      %parallel_loop3A_198 = tpu.vector_load %arg14[%parallel_loop3A_196, %parallel_loop3A_197] {strides = array<i32>} : memref<80x128xf32, #tpu.memory_space<vmem>>, vector<16xf32>,
      tpu.vector_store %arg14[%parallel_loop3A_196, %parallel_loop3A_197], %parallel_loop3A_195 {strides = array<i32>} : memref<80x128xf32, #tpu.memory_space<vmem>>, vector<16xf32>,
    } {sc.loop_unroll_factor = 4 : i64, sc.parallel_access}
    %add3A_60 = arith.constant 9920 : i32
    %add3A_61 = arith.addi %mul3A_2, %add3A_60 : i32
    %multiple_of3A_62 = tpu.assume_multiple %add3A_61, 8 : i32
    %dma_wait3A_63 = tpu.memref_slice %arg4[%multiple_of3A_62] : memref<320000xi32, #tpu.memory_space<hbm>> -> memref<80xi32, #tpu.memory_space<hbm>>
    %dma_wait3A_64 = tpu.memref_slice %arg4[%multiple_of3A_62] : memref<320000xi32, #tpu.memory_space<hbm>> -> memref<80xi32, #tpu.memory_space<hbm>>
    tpu.wait_dma2 semaphore(%arg21 : memref<!tpu.dma_semaphore, #tpu.memory_space<semaphore_mem>>) src(%dma_wait3A_64 : memref<80xi32, #tpu.memory_space<hbm>>) dst(%arg10 : memref<80xi32, #tpu.memory_space<vmem>>)
    %dma_start3A_65 = arith.constant 0 : i32
    %dma_start3A_66 = arith.constant 0 : i32
    %dma_start3A_67 = tpu.memref_slice %arg18[%dma_start3A_65, %dma_start3A_66] : memref<10000x128xf32, #tpu.memory_space<vmem_shared>> -> memref<10000x128xf32, #tpu.memory_space<vmem_shared>>
    tpu.enqueue_indirect_dma source(%arg14 : memref<80x128xf32, #tpu.memory_space<vmem>>) target(%dma_start3A_67 : memref<10000x128xf32, #tpu.memory_space<vmem_shared>>) offsets(%arg10 : memref<80xi32, #tpu.memory_space<vmem>>) semaphore(%arg29 : memref<!tpu.dma_semaphore, #tpu.memory_space<semaphore_mem>>) {add = true}
    %dma_wait3A_68 = arith.constant 0 : i32
    %dma_wait3A_69 = arith.constant 0 : i32
    %dma_wait3A_70 = tpu.memref_slice %arg18[%dma_wait3A_68, %dma_wait3A_69] : memref<10000x128xf32, #tpu.memory_space<vmem_shared>> -> memref<10000x128xf32, #tpu.memory_space<vmem_shared>>
    tpu.wait_indirect_dma semaphore(%arg29 : memref<!tpu.dma_semaphore, #tpu.memory_space<semaphore_mem>>) src(%arg14 : memref<80x128xf32, #tpu.memory_space<vmem>>) dst(%dma_wait3A_70 : memref<10000x128xf32, #tpu.memory_space<vmem_shared>>)
    %barrier3A_71 = arith.constant 0 : index
    tpu.barrier barrier_id(%barrier3A_71)
    %lt3A_72 = arith.constant 15 : i32
    %lt3A_73 = arith.cmpi slt, %arg1, %lt3A_72 : i32
    %convert_element_type3A_74 = arith.extui %lt3A_73 : i1 to i32
    %cond3A_75 = arith.constant 0 : i32
    %cond3A_76 = arith.cmpi ne, %convert_element_type3A_74, %cond3A_75 : i32
    scf.if %cond3A_76 {
      "tpu.region"() ({
        %run_scoped3A = tpu.sem_alloc : memref<!tpu.dma_semaphore, #tpu.memory_space<semaphore_mem>>
        %dma_start3A_82 = arith.constant 0 : i32
        %dma_start3A_83 = tpu.memref_slice %arg7[%arg0, %multiple_of3A, %dma_start3A_82] : memref<2x10000x128xf32, #tpu.memory_space<hbm>> -> memref<1x624x128xf32, #tpu.memory_space<hbm>>
        %dma_start3A_84 = tpu.memref_squeeze %dma_start3A_83 : memref<1x624x128xf32, #tpu.memory_space<hbm>> -> memref<624x128xf32, #tpu.memory_space<hbm>>
        %dma_start3A_85 = arith.constant 0 : i32
        %dma_start3A_86 = tpu.memref_slice %arg18[%multiple_of3A, %dma_start3A_85] : memref<10000x128xf32, #tpu.memory_space<vmem_shared>> -> memref<624x128xf32, #tpu.memory_space<vmem_shared>>
        tpu.enqueue_dma source(%dma_start3A_86 : memref<624x128xf32, #tpu.memory_space<vmem_shared>>) target(%dma_start3A_84 : memref<624x128xf32, #tpu.memory_space<hbm>>) target_semaphore(%run_scoped3A : memref<!tpu.dma_semaphore, #tpu.memory_space<semaphore_mem>>)
        %dma_wait3A_87 = arith.constant 0 : i32
        %dma_wait3A_88 = tpu.memref_slice %arg7[%arg0, %multiple_of3A, %dma_wait3A_87] : memref<2x10000x128xf32, #tpu.memory_space<hbm>> -> memref<1x624x128xf32, #tpu.memory_space<hbm>>
        %dma_wait3A_89 = tpu.memref_squeeze %dma_wait3A_88 : memref<1x624x128xf32, #tpu.memory_space<hbm>> -> memref<624x128xf32, #tpu.memory_space<hbm>>
        %dma_wait3A_90 = arith.constant 0 : i32
        %dma_wait3A_91 = tpu.memref_slice %arg18[%multiple_of3A, %dma_wait3A_90] : memref<10000x128xf32, #tpu.memory_space<vmem_shared>> -> memref<624x128xf32, #tpu.memory_space<vmem_shared>>
        tpu.wait_dma2 semaphore(%run_scoped3A : memref<!tpu.dma_semaphore, #tpu.memory_space<semaphore_mem>>) src(%dma_wait3A_91 : memref<624x128xf32, #tpu.memory_space<vmem_shared>>) dst(%dma_wait3A_89 : memref<624x128xf32, #tpu.memory_space<hbm>>)
        tpu.yield
      }) : () -> ()
    } else {
    }
    %eq3A_77 = arith.constant 15 : i32
    %eq3A_78 = arith.cmpi eq, %arg1, %eq3A_77 : i32
    %convert_element_type3A_79 = arith.extui %eq3A_78 : i1 to i32
    %cond3A_80 = arith.constant 0 : i32
    %cond3A_81 = arith.cmpi ne, %convert_element_type3A_79, %cond3A_80 : i32
    scf.if %cond3A_81 {
      "tpu.region"() ({
        %run_scoped3A = tpu.sem_alloc : memref<!tpu.dma_semaphore, #tpu.memory_space<semaphore_mem>>
        %dma_start3A_82 = arith.constant 0 : i32
        %dma_start3A_83 = tpu.memref_slice %arg7[%arg0, %multiple_of3A, %dma_start3A_82] : memref<2x10000x128xf32, #tpu.memory_space<hbm>> -> memref<1x640x128xf32, #tpu.memory_space<hbm>>
        %dma_start3A_84 = tpu.memref_squeeze %dma_start3A_83 : memref<1x640x128xf32, #tpu.memory_space<hbm>> -> memref<640x128xf32, #tpu.memory_space<hbm>>
        %dma_start3A_85 = arith.constant 0 : i32
        %dma_start3A_86 = tpu.memref_slice %arg18[%multiple_of3A, %dma_start3A_85] : memref<10000x128xf32, #tpu.memory_space<vmem_shared>> -> memref<640x128xf32, #tpu.memory_space<vmem_shared>>
        tpu.enqueue_dma source(%dma_start3A_86 : memref<640x128xf32, #tpu.memory_space<vmem_shared>>) target(%dma_start3A_84 : memref<640x128xf32, #tpu.memory_space<hbm>>) target_semaphore(%run_scoped3A : memref<!tpu.dma_semaphore, #tpu.memory_space<semaphore_mem>>)
        %dma_wait3A_87 = arith.constant 0 : i32
        %dma_wait3A_88 = tpu.memref_slice %arg7[%arg0, %multiple_of3A, %dma_wait3A_87] : memref<2x10000x128xf32, #tpu.memory_space<hbm>> -> memref<1x640x128xf32, #tpu.memory_space<hbm>>
        %dma_wait3A_89 = tpu.memref_squeeze %dma_wait3A_88 : memref<1x640x128xf32, #tpu.memory_space<hbm>> -> memref<640x128xf32, #tpu.memory_space<hbm>>
        %dma_wait3A_90 = arith.constant 0 : i32
        %dma_wait3A_91 = tpu.memref_slice %arg18[%multiple_of3A, %dma_wait3A_90] : memref<10000x128xf32, #tpu.memory_space<vmem_shared>> -> memref<640x128xf32, #tpu.memory_space<vmem_shared>>
        tpu.wait_dma2 semaphore(%run_scoped3A : memref<!tpu.dma_semaphore, #tpu.memory_space<semaphore_mem>>) src(%dma_wait3A_91 : memref<640x128xf32, #tpu.memory_space<vmem_shared>>) dst(%dma_wait3A_89 : memref<640x128xf32, #tpu.memory_space<hbm>>)
        tpu.yield
      }) : () -> ()
    } else {
    }
    return
  }
}

module attributes {stable_mosaic.version = 14 : i64} {
  func.func @_tc_dense_body(%arg0: i32, %arg1: memref<1000x128xf32, #tpu.memory_space<vmem>>, %arg2: memref<1000x128xf32, #tpu.memory_space<vmem>>, %arg3: memref<1000x128xf32, #tpu.memory_space<vmem>>, %arg4: memref<128x128xf32, #tpu.memory_space<vmem>>, %arg5: memref<1x128xf32, #tpu.memory_space<vmem>>, %arg6: memref<128x128xf32, #tpu.memory_space<vmem>>, %arg7: memref<1x128xf32, #tpu.memory_space<vmem>>, %arg8: memref<1x128xf32, #tpu.memory_space<vmem>>, %arg9: memref<1x128xf32, #tpu.memory_space<vmem>>, %arg10: memref<1000x128xf32, #tpu.memory_space<vmem>>) attributes {dimension_semantics = [#tpu.dimension_semantics<arbitrary>], iteration_bounds = array<i64: 10>, scalar_prefetch = 0 : i64, scratch_operands = 0 : i64, tpu.core_type = #tpu.core_type<tc>, window_params = [{transform_indices = @transform_0, window_bounds = array<i64: 1000, 128>}, {transform_indices = @transform_1, window_bounds = array<i64: 1000, 128>}, {transform_indices = @transform_2, window_bounds = array<i64: 1000, 128>}, {pipeline_mode = #tpu.pipeline_mode<synchronous>, transform_indices = @transform_3, window_bounds = array<i64: 128, 128>}, {pipeline_mode = #tpu.pipeline_mode<synchronous>, transform_indices = @transform_4, window_bounds = array<i64: 1, 128>}, {pipeline_mode = #tpu.pipeline_mode<synchronous>, transform_indices = @transform_5, window_bounds = array<i64: 128, 128>}, {pipeline_mode = #tpu.pipeline_mode<synchronous>, transform_indices = @transform_6, window_bounds = array<i64: 1, 128>}, {pipeline_mode = #tpu.pipeline_mode<synchronous>, transform_indices = @transform_7, window_bounds = array<i64: 1, 128>}, {pipeline_mode = #tpu.pipeline_mode<synchronous>, transform_indices = @transform_8, window_bounds = array<i64: 1, 128>}, {transform_indices = @transform_9, window_bounds = array<i64: 1000, 128>}]} {
    %get3A = arith.constant 0 : index
    %get3A_0 = arith.constant 0 : index
    %get3A_1 = vector.load %arg1[%get3A, %get3A_0] : memref<1000x128xf32, #tpu.memory_space<vmem>>, vector<1000x128xf32>
    %get3A_2 = arith.constant 0 : index
    %get3A_3 = arith.constant 0 : index
    %get3A_4 = vector.load %arg2[%get3A_2, %get3A_3] : memref<1000x128xf32, #tpu.memory_space<vmem>>, vector<1000x128xf32>
    %add3A = arith.addf %get3A_1, %get3A_4 : vector<1000x128xf32>
    %get3A_5 = arith.constant 0 : index
    %get3A_6 = arith.constant 0 : index
    %get3A_7 = vector.load %arg3[%get3A_5, %get3A_6] : memref<1000x128xf32, #tpu.memory_space<vmem>>, vector<1000x128xf32>
    %add3A_8 = arith.addf %add3A, %get3A_7 : vector<1000x128xf32>
    %get3A_9 = arith.constant 0 : index
    %get3A_10 = arith.constant 0 : index
    %get3A_11 = vector.load %arg4[%get3A_9, %get3A_10] : memref<128x128xf32, #tpu.memory_space<vmem>>, vector<128x128xf32>
    %dot_general3A = arith.constant dense<0.000000e+00> : vector<1000x128xf32>
    %dot_general3A_12 = tpu.matmul %add3A_8, %get3A_11, %dot_general3A {dimension_numbers = #tpu.dot_dimension_numbers<[1], [0], [0], [1], [0, 0, 1, 1], [], []>, transpose_lhs_hint = false} : vector<1000x128xf32>, vector<128x128xf32>, vector<1000x128xf32> -> vector<1000x128xf32>
    %get3A_13 = arith.constant 0 : index
    %get3A_14 = arith.constant 0 : index
    %get3A_15 = vector.load %arg5[%get3A_13, %get3A_14] : memref<1x128xf32, #tpu.memory_space<vmem>>, vector<1x128xf32>
    %add3A_16 = vector.broadcast %get3A_15 : vector<1x128xf32> to vector<1000x128xf32>
    %add3A_17 = arith.addf %dot_general3A_12, %add3A_16 : vector<1000x128xf32>
    %max3A = arith.constant 0.000000e+00 : f32
    %max3A_18 = vector.broadcast %max3A : f32 to vector<1000x128xf32>
    %max3A_19 = arith.maximumf %add3A_17, %max3A_18 : vector<1000x128xf32>
    %get3A_20 = arith.constant 0 : index
    %get3A_21 = arith.constant 0 : index
    %get3A_22 = vector.load %arg6[%get3A_20, %get3A_21] : memref<128x128xf32, #tpu.memory_space<vmem>>, vector<128x128xf32>
    %dot_general3A_23 = arith.constant dense<0.000000e+00> : vector<1000x128xf32>
    %dot_general3A_24 = tpu.matmul %max3A_19, %get3A_22, %dot_general3A_23 {dimension_numbers = #tpu.dot_dimension_numbers<[1], [0], [0], [1], [0, 0, 1, 1], [], []>, transpose_lhs_hint = false} : vector<1000x128xf32>, vector<128x128xf32>, vector<1000x128xf32> -> vector<1000x128xf32>
    %get3A_25 = arith.constant 0 : index
    %get3A_26 = arith.constant 0 : index
    %get3A_27 = vector.load %arg7[%get3A_25, %get3A_26] : memref<1x128xf32, #tpu.memory_space<vmem>>, vector<1x128xf32>
    %add3A_28 = vector.broadcast %get3A_27 : vector<1x128xf32> to vector<1000x128xf32>
    %add3A_29 = arith.addf %dot_general3A_24, %add3A_28 : vector<1000x128xf32>
    %add3A_30 = arith.addf %add3A_29, %get3A_1 : vector<1000x128xf32>
    %reduce_sum3A = arith.constant dense<0.000000e+00> : vector<1000xf32>
    %reduce_sum3A_31 = vector.multi_reduction <add>, %add3A_30, %reduce_sum3A [1] : vector<1000x128xf32> to vector<1000xf32>
    %broadcast_in_dim3A = vector.shape_cast %reduce_sum3A_31 : vector<1000xf32> to vector<1000x1xf32>
    %div3A = arith.constant 1.280000e+02 : f32
    %div3A_32 = vector.broadcast %div3A : f32 to vector<1000x1xf32>
    %div3A_33 = arith.divf %broadcast_in_dim3A, %div3A_32 : vector<1000x1xf32>
    %sub3A = vector.broadcast %div3A_33 : vector<1000x1xf32> to vector<1000x128xf32>
    %sub3A_34 = arith.subf %add3A_30, %sub3A : vector<1000x128xf32>
    %sub3A_35 = vector.broadcast %div3A_33 : vector<1000x1xf32> to vector<1000x128xf32>
    %sub3A_36 = arith.subf %add3A_30, %sub3A_35 : vector<1000x128xf32>
    %mul3A = arith.mulf %sub3A_34, %sub3A_36 : vector<1000x128xf32>
    %reduce_sum3A_37 = arith.constant dense<0.000000e+00> : vector<1000xf32>
    %reduce_sum3A_38 = vector.multi_reduction <add>, %mul3A, %reduce_sum3A_37 [1] : vector<1000x128xf32> to vector<1000xf32>
    %broadcast_in_dim3A_39 = vector.shape_cast %reduce_sum3A_38 : vector<1000xf32> to vector<1000x1xf32>
    %div3A_40 = arith.constant 1.280000e+02 : f32
    %div3A_41 = vector.broadcast %div3A_40 : f32 to vector<1000x1xf32>
    %div3A_42 = arith.divf %broadcast_in_dim3A_39, %div3A_41 : vector<1000x1xf32>
    %sub3A_43 = vector.broadcast %div3A_33 : vector<1000x1xf32> to vector<1000x128xf32>
    %sub3A_44 = arith.subf %add3A_30, %sub3A_43 : vector<1000x128xf32>
    %add3A_45 = arith.constant 9.99999974E-6 : f32
    %add3A_46 = vector.broadcast %add3A_45 : f32 to vector<1000x1xf32>
    %add3A_47 = arith.addf %div3A_42, %add3A_46 : vector<1000x1xf32>
    %rsqrt3A = math.rsqrt %add3A_47 : vector<1000x1xf32>
    %mul3A_48 = vector.broadcast %rsqrt3A : vector<1000x1xf32> to vector<1000x128xf32>
    %mul3A_49 = arith.mulf %sub3A_44, %mul3A_48 : vector<1000x128xf32>
    %get3A_50 = arith.constant 0 : index
    %get3A_51 = arith.constant 0 : index
    %get3A_52 = vector.load %arg8[%get3A_50, %get3A_51] : memref<1x128xf32, #tpu.memory_space<vmem>>, vector<1x128xf32>
    %mul3A_53 = vector.broadcast %get3A_52 : vector<1x128xf32> to vector<1000x128xf32>
    %mul3A_54 = arith.mulf %mul3A_49, %mul3A_53 : vector<1000x128xf32>
    %get3A_55 = arith.constant 0 : index
    %get3A_56 = arith.constant 0 : index
    %get3A_57 = vector.load %arg9[%get3A_55, %get3A_56] : memref<1x128xf32, #tpu.memory_space<vmem>>, vector<1x128xf32>
    %add3A_58 = vector.broadcast %get3A_57 : vector<1x128xf32> to vector<1000x128xf32>
    %add3A_59 = arith.addf %mul3A_54, %add3A_58 : vector<1000x128xf32>
    %neg3A = arith.constant 0.000000e+00 : f32
    %neg3A_60 = vector.broadcast %neg3A : f32 to vector<1000x128xf32>
    %neg3A_61 = arith.subf %neg3A_60, %add3A_59 : vector<1000x128xf32>
    %exp3A = math.exp %neg3A_61 : vector<1000x128xf32>
    %add3A_62 = arith.constant 1.000000e+00 : f32
    %add3A_63 = vector.broadcast %add3A_62 : f32 to vector<1000x128xf32>
    %add3A_64 = arith.addf %add3A_63, %exp3A : vector<1000x128xf32>
    %div3A_65 = arith.constant 1.000000e+00 : f32
    %div3A_66 = vector.broadcast %div3A_65 : f32 to vector<1000x128xf32>
    %div3A_67 = arith.divf %div3A_66, %add3A_64 : vector<1000x128xf32>
    %mul3A_68 = arith.mulf %add3A_59, %div3A_67 : vector<1000x128xf32>
    %ne3A = arith.cmpf one, %mul3A_68, %mul3A_68 : vector<1000x128xf32>
    %jit3A = arith.constant 0.000000e+00 : f32
    %broadcast_in_dim3A_69 = vector.broadcast %jit3A : f32 to vector<1000x128xf32>
    %select_n3A = arith.select %ne3A, %broadcast_in_dim3A_69, %mul3A_68 : vector<1000x128xi1>, vector<1000x128xf32>
    %neg3A_70 = arith.constant 0.000000e+00 : f32
    %neg3A_71 = arith.constant 3.40282347E+38 : f32
    %neg3A_72 = arith.subf %neg3A_70, %neg3A_71 : f32
    %jit3A_73 = arith.constant 3.40282347E+38 : f32
    %max3A_74 = vector.broadcast %neg3A_72 : f32 to vector<1000x128xf32>
    %max3A_75 = arith.maximumf %max3A_74, %select_n3A : vector<1000x128xf32>
    %min3A = vector.broadcast %jit3A_73 : f32 to vector<1000x128xf32>
    %min3A_76 = arith.minimumf %min3A, %max3A_75 : vector<1000x128xf32>
    %swap3A = arith.constant 0 : index
    %swap3A_77 = arith.constant 0 : index
    %swap3A_78 = vector.load %arg10[%swap3A, %swap3A_77] : memref<1000x128xf32, #tpu.memory_space<vmem>>, vector<1000x128xf32>
    tpu.vector_store %arg10[%swap3A, %swap3A_77], %min3A_76 {strides = array<i32>} : memref<1000x128xf32, #tpu.memory_space<vmem>>, vector<1000x128xf32>,
    return
  }
  func.func @transform_0(%arg0: i32) -> (i32, i32) {
    %c0_i32 = arith.constant 0 : i32
    %c0_i32_0 = arith.constant 0 : i32
    return %arg0, %c0_i32 : i32, i32
  }
  func.func @transform_1(%arg0: i32) -> (i32, i32) {
    %c0_i32 = arith.constant 0 : i32
    %c0_i32_0 = arith.constant 0 : i32
    return %arg0, %c0_i32 : i32, i32
  }
  func.func @transform_2(%arg0: i32) -> (i32, i32) {
    %c0_i32 = arith.constant 0 : i32
    %c0_i32_0 = arith.constant 0 : i32
    return %arg0, %c0_i32 : i32, i32
  }
  func.func @transform_3(%arg0: i32) -> (i32, i32) {
    %c0_i32 = arith.constant 0 : i32
    %c0_i32_0 = arith.constant 0 : i32
    %c0_i32_1 = arith.constant 0 : i32
    return %c0_i32, %c0_i32_0 : i32, i32
  }
  func.func @transform_4(%arg0: i32) -> (i32, i32) {
    %c0_i32 = arith.constant 0 : i32
    %c0_i32_0 = arith.constant 0 : i32
    %c0_i32_1 = arith.constant 0 : i32
    return %c0_i32, %c0_i32_0 : i32, i32
  }
  func.func @transform_5(%arg0: i32) -> (i32, i32) {
    %c0_i32 = arith.constant 0 : i32
    %c0_i32_0 = arith.constant 0 : i32
    %c0_i32_1 = arith.constant 0 : i32
    return %c0_i32, %c0_i32_0 : i32, i32
  }
  func.func @transform_6(%arg0: i32) -> (i32, i32) {
    %c0_i32 = arith.constant 0 : i32
    %c0_i32_0 = arith.constant 0 : i32
    %c0_i32_1 = arith.constant 0 : i32
    return %c0_i32, %c0_i32_0 : i32, i32
  }
  func.func @transform_7(%arg0: i32) -> (i32, i32) {
    %c0_i32 = arith.constant 0 : i32
    %c0_i32_0 = arith.constant 0 : i32
    %c0_i32_1 = arith.constant 0 : i32
    return %c0_i32, %c0_i32_0 : i32, i32
  }
  func.func @transform_8(%arg0: i32) -> (i32, i32) {
    %c0_i32 = arith.constant 0 : i32
    %c0_i32_0 = arith.constant 0 : i32
    %c0_i32_1 = arith.constant 0 : i32
    return %c0_i32, %c0_i32_0 : i32, i32
  }
  func.func @transform_9(%arg0: i32) -> (i32, i32) {
    %c0_i32 = arith.constant 0 : i32
    %c0_i32_0 = arith.constant 0 : i32
    return %arg0, %c0_i32 : i32, i32
  }
}

</mosaic_0001>

<sc_bundles>
// kernel: kernel.4.cloned.1.call-start
scs
__scs_entry_jumppad:
0x0: {  	(pc) =	sbr.rel $0x88, $3  }
0x1: {  	(tag) =	ssettag $0x0;
	lr =	simm.s32 $0x1  }
0x2: {  	[smem:$0x3F98] =	sst lr;
	_ =	strace $0xD0000000  }
0x3: {  	_ = 	snop  }
0x4: {  	_ = 	snop  }
0x5: {  	_ = 	snop  }
0x6: {  	_ = 	snop  }
0x7: {  	_ = 	snop  }
__scs_overlays_trampoline_lowered:
0x8: {  	[smem:$0x3FA7] =	sst s0  }
0x9: {  	[smem:$0x3FA8] =	sst s1  }
0xa: {  	[smem:$0x3FA9] =	sst s2  }
0xb: {  	[smem:$0x3FAA] =	sst s3  }
0xc: {  	[smem:$0x3FAB] =	sst s4  }
0xd: {  	[smem:$0x3FAC] =	sst s5  }
0xe: {  	[smem:$0x3FAD] =	sst s6  }
0xf: {  	[smem:$0x3FAE] =	sst s7  }
0x10: {  	[smem:$0x3FAF] =	sst s8  }
0x11: {  	[smem:$0x3FB0] =	sst s9;
	s0 =	simm.s32 @!p0 $0x0  }
0x12: {  	s1 =	sld [smem:$0x3F96];
	s0 =	simm.s32 @p0 $0x1  }
0x13: {  	[smem:$0x3FB1] =	sst s0;
	s0 =	simm.s32 @!p1 $0x0  }
0x14: {  	s2 =	sld [smem:$0x3F95];
	s0 =	simm.s32 @p1 $0x1  }
0x15: {  	[smem:$0x3FB2] =	sst s0;
	s0 =	simm.s32 @!p2 $0x0  }
0x16: {  	s3 =	sld [smem:$0x3FDB];
	s0 =	simm.s32 @p2 $0x1  }
0x17: {  	s4 =	simm.s32 $0x1BF5;
	[smem:$0x3FB4] =	sst s0  }
0x18: {  	s0 =	sld [smem:$0x3F97];
	_ =	swait.ge [sflag:s4], $0x0  }
0x19: {  	s7 =	sld [smem:$0x3F98]  }
0x1a: {  	s8 =	sadd.s32 $0xFFFFE003, lr  }
0x1b: {  	s9 =	sadd.s32 $0xFFFFFEF7, lr;
	s5 =	simm.s32 $0xFFFFFFFF;
	p2 =	slt.u32 s8, $0xFFFFF086  }
0x1c: {  	p1 =	slt.u32 s9, $0xF7A;
	s5 =	simm.s32 @!p2 $0x0  }
0x1d: {  	s5 =	simm.s32 @p1 $0x1;
	p0 =	seq.s32 s7, s2  }
0x1e: {  	s7 =	smul.u32 @!p0 $0xF7A, s2;
	p2 =	seq.s32 @!p0 s5, $0x0  }
0x1f: {  	s9 =	smul.u32 $0xF7A, s1;
	s8 =	simm.s32 @!p0 $0x1BF5;
	p2 =	por !p2, p0  }
0x20: {  	[sflag:s8] =	ssyncset.s32 @!p0 $0xFFFFF086;
	s6 =	sadd.s32 @!p0 s3, s7;
	s7 =	simm.s32 @!p0 $0x108  }
0x21: {  	s3 =	sadd.s32 s3, s9;
	s6 =	sadd.s32 @!p0 $0x88, s6;
	s7 =	simm.s32 @p2 $0x1082  }
0x22: {  	[simem:s7], [sflag:s8] =	dma.local @!p0 [hbm:s6], $0xF7A  }
0x23: {  	s9 =	sor.u32 $0xD0000000, s2;
	s6 =	simm.s32 $0x108;
	_ =	swait.ge @!p0 [sflag:s8], $0x0  }
0x24: {  	s3 =	sadd.s32 $0x88, s3;
	s6 =	simm.s32 @!p1 $0x1082;
	[sflag:s4] =	ssyncset.s32 $0xFFFFF086  }
0x25: {  	[simem:s6], [sflag:s4] =	dma.local [hbm:s3], $0xF7A  }
0x26: {  	[smem:$0x3F98] =	sst s1;
	(tag) =	ssettag s2;
	_ =	strace s9  }
0x27: {  	s1 =	sld [smem:$0x3FA8]  }
0x28: {  	s2 =	sld [smem:$0x3FA9]  }
0x29: {  	s4 =	sld [smem:$0x3FAB]  }
0x2a: {  	p0 =	seq.s32 s5, $0x0;
	s5 =	sld [smem:$0x3FAC]  }
0x2b: {  	s6 =	sld [smem:$0x3FAD]  }
0x2c: {  	s7 =	sld [smem:$0x3FAE]  }
0x2d: {  	s3 =	simm.s32 $0x108;
	s8 =	sld [smem:$0x3FAF]  }
0x2e: {  	s3 =	simm.s32 @!p0 $0x1082;
	s9 =	sld [smem:$0x3FB0]  }
0x2f: {  	lr =	sadd.s32 s0, s3;
	s0 =	sld [smem:$0x3FA7]  }
0x30: {  	s3 =	sld [smem:$0x3FAA]  }
0x31: {  	[smem:$0x3FB3] =	sst s10  }
0x32: {  	s10 =	sld [smem:$0x3FB1];
	_ =	sdelay $0x3  }
0x33: {  	p0 =	seq.s32 s10, $0x1;
	s10 =	sld [smem:$0x3FB3];
	_ =	sdelay $0x3  }
0x34: {  	[smem:$0x3FB3] =	sst s10  }
0x35: {  	s10 =	sld [smem:$0x3FB2];
	_ =	sdelay $0x3  }
0x36: {  	p1 =	seq.s32 s10, $0x1;
	s10 =	sld [smem:$0x3FB3];
	_ =	sdelay $0x3  }
0x37: {  	[smem:$0x3FB3] =	sst s10  }
0x38: {  	s10 =	sld [smem:$0x3FB4]  }
0x39: {  	_ = 	snop;
	(pc) =	sbr.ind lr, $3  }
0x3a: {  	_ = 	snop  }
0x3b: {  	_ = 	snop  }
0x3c: {  	p2 =	seq.s32 s10, $0x1;
	s10 =	sld [smem:$0x3FB3]  }
0x3d: {  	_ =	shalt  }
0x3e: {  	_ =	shalt  }
0x3f: {  	_ =	shalt  }
0x40: {  	_ =	shalt  }
0x41: {  	_ =	shalt  }
0x42: {  	_ =	shalt  }
0x43: {  	_ =	shalt  }
0x44: {  	_ =	shalt  }
0x45: {  	_ =	shalt  }
0x46: {  	_ =	shalt  }
0x47: {  	_ =	shalt  }
0x48: {  	_ =	shalt  }
0x49: {  	_ =	shalt  }
0x4a: {  	_ =	shalt  }
0x4b: {  	_ =	shalt  }
0x4c: {  	_ =	shalt  }
0x4d: {  	_ =	shalt  }
0x4e: {  	_ =	shalt  }
0x4f: {  	_ =	shalt  }
0x50: {  	_ =	shalt  }
0x51: {  	_ =	shalt  }
0x52: {  	_ =	shalt  }
0x53: {  	_ =	shalt  }
0x54: {  	_ =	shalt  }
0x55: {  	_ =	shalt  }
0x56: {  	_ =	shalt  }
0x57: {  	_ =	shalt  }
0x58: {  	_ =	shalt  }
0x59: {  	_ =	shalt  }
0x5a: {  	_ =	shalt  }
0x5b: {  	_ =	shalt  }
0x5c: {  	_ =	shalt  }
0x5d: {  	_ =	shalt  }
0x5e: {  	_ =	shalt  }
0x5f: {  	_ =	shalt  }
0x60: {  	_ =	shalt  }
0x61: {  	_ =	shalt  }
0x62: {  	_ =	shalt  }
0x63: {  	_ =	shalt  }
0x64: {  	_ =	shalt  }
0x65: {  	_ =	shalt  }
0x66: {  	_ =	shalt  }
0x67: {  	_ =	shalt  }
0x68: {  	_ =	shalt  }
0x69: {  	_ =	shalt  }
0x6a: {  	_ =	shalt  }
0x6b: {  	_ =	shalt  }
0x6c: {  	_ =	shalt  }
0x6d: {  	_ =	shalt  }
0x6e: {  	_ =	shalt  }
0x6f: {  	_ =	shalt  }
0x70: {  	_ =	shalt  }
0x71: {  	_ =	shalt  }
0x72: {  	_ =	shalt  }
0x73: {  	_ =	shalt  }
0x74: {  	_ =	shalt  }
0x75: {  	_ =	shalt  }
0x76: {  	_ =	shalt  }
0x77: {  	_ =	shalt  }
0x78: {  	_ =	shalt  }
0x79: {  	_ =	shalt  }
0x7a: {  	_ =	shalt  }
0x7b: {  	_ =	shalt  }
0x7c: {  	_ =	shalt  }
0x7d: {  	_ =	shalt  }
0x7e: {  	_ =	shalt  }
0x7f: {  	_ =	shalt  }
0x80: {  	_ =	shalt  }
0x81: {  	_ =	shalt  }
0x82: {  	_ =	shalt  }
0x83: {  	_ =	shalt  }
0x84: {  	_ =	shalt  }
0x85: {  	_ =	shalt  }
0x86: {  	_ =	shalt  }
0x87: {  	_ =	shalt  }
.Lfunc_end0:
.L_simem_size_0:
called_computation_lowered:
.L_overlay_start_0:
0x88: {  	s2 =	sld [smem:$0x3FD9]  }
0x89: {  	s3 =	sld [smem:$0x3FFE];
	_ =	sdelay $0x1  }
0x8a: {  	s1 =	srdreg.scid  }
0x8b: {  	s0 =	sand.u32 $0x1, s1  }
0x8c: {  	s17 =	sshll.u32 s0, $0xA;
	s2 =	sadd.s32 s3, s2  }
0x8d: {  	s2 =	sadd.s32 s2, s17  }
0x8e: {  	[smem:$0x3FBF] =	sst s2  }
0x8f: {  	_ = 	snop  }
0x90: {  	s2 =	sld [smem:$0x3FC7]  }
0x91: {  	s18 =	sld [smem:$0x3FD0];
	(tm) =	ssettm $0x1  }
0x92: {  	s4 =	sld [smem:$0x3FFB];
	_ =	sdelay $0x3  }
0x93: {  	_ =	strace s4  }
0x94: {  	s4 =	sld [smem:$0x3FFC];
	_ =	sdelay $0x3  }
0x95: {  	_ =	strace s4  }
0x96: {  	s4 =	sld [smem:$0x3FFD];
	_ =	sdelay $0x3  }
0x97: {  	_ =	strace s4  }
0x98: {  	_ =	strace $0x8FFFFFFF  }
0x99: {  	s19 =	sld [smem:$0x3FDB];
	_ =	sdelay $0x1  }
0x9a: {  	s5 =	simm.s32 $_scs_section_size  }
0x9b: {  	s6 =	simm.s32 $_size__tile_overlayer_lowered;
	s7 =	simm.s32 $_tile_overlayer_lowered  }
0x9c: {  	s22 =	simm.s32 $0x1BFF;
	s21 =	sshll.u32 s7, $0x1;
	s4 =	sadd.s32 s5, s19  }
0x9d: {  	s8 =	simm.s32 $0x0;
	s20 =	sshll.u32 s6, $0x1;
	s6 =	sadd.s32 s21, s4  }
0x9e: {  	[timem:s8], [sflag:s22] =	dma.local [hbm:s6], s20  }
0x9f: {  	_ =	swait.ge [sflag:s22], s20  }
0xa0: {  	s5 =	ssub.s32 $0x0, s20;
	[sflag:s22] =	ssyncset.done $0x0  }
0xa1: {  	[sflag:s22] =	ssyncadd.s32 s5;
	_ =	sdelay $0x1  }
0xa2: {  	s23 =	simm.s32 $0x1B8B  }
0xa3: {  	_ =	swait.ge [sflag:s23], $0x1  }
0xa4: {  	[sflag:s23] =	ssyncset.done $0x0  }
0xa5: {  	s25 =	simm.s32 $0x1B8E;
	s24 =	sld [smem:$0x3FFE];
	[sflag:s23] =	ssyncadd.s32 $0xFFFFFFFF  }
0xa6: {  	s26 =	simm.s32 $execute0_lowered;
	[smem:$0x3FD2] =	sst s25  }
0xa7: {  	s6 =	sshll.u32 s26, $0x1;
	_ =	strace $0x80000046;
	[dreg:$0x1] =	wrdreg $0xFFFFFFFF  }
0xa8: {  	s28 =	simm.s32 $_size_execute0_lowered;
	s4 =	sadd.s32 s4, s6;
	[dreg:$0x0] =	wrdreg $0x0  }
0xa9: {  	s6 =	sshll.u32 s28, $0x1;
	[dreg:$0x2] =	wrdreg s4  }
0xaa: {  	[dreg:$0x3] =	wrdreg s6  }
0xab: {  	[dreg:$0x4] =	wrdreg $0xC0  }
0xac: {  	_ =	task [dreg:s8], $0x5FFFF  }
0xad: {  	[dreg:$0x1] =	wrdreg $0xFFFFFFFF  }
0xae: {  	[dreg:$0x0] =	wrdreg $0x60  }
0xaf: {  	[dreg:$0x2] =	wrdreg s24  }
0xb0: {  	[dreg:$0x3] =	wrdreg s2  }
0xb1: {  	[dreg:$0x4] =	wrdreg s18  }
0xb2: {  	[dreg:$0x5] =	wrdreg $0x79400  }
0xb3: {  	[dreg:$0x6] =	wrdreg $0x9  }
0xb4: {  	_ =	task.clear_ibuf [dreg:s8], $0x7FFFF;
	_ =	strace $0x90000046  }
0xb5: {  	s29 =	simm.s32 $0x9;
	_ =	strace $0x80000048  }
0xb6: {  	_ =	swait.ge [sflag:s29], $0x1  }
0xb7: {  	[sflag:s29] =	ssyncadd.s32 $0xFFFFFFFF  }
0xb8: {  	_ =	strace $0x90000048  }
0xb9: {  	_ =	sfence  }
0xba: {  	s30 =	sld [smem:$0x0];
	_ =	sdelay $0x2  }
0xbb: {  	s31 =	sshll.u32 s1, $0xD;
	s1 =	sshrl.u32 s1, $0x2  }
0xbc: {  	s3 =	sand.u32 $0x4000, s31;
	s1 =	sadd.s32 s1, s30  }
0xbd: {  	s0 =	sor.u32 s3, s0;
	s1 =	sshll.u32 s1, $0x11  }
0xbe: {  	s0 =	sor.u32 s1, s0  }
0xbf: {  	s0 =	sadd.s32 $0x8F2B, s0  }
0xc0: {  	[sflag:s0] =	ssyncadd.remote.s32 $0x1  }
0xc1: {  	_ =	sfence.sel $0xFFFF  }
0xc2: {  	[dreg:$0x0] =	wrdreg $0xFFFFFFFF;
	(pc) =	sbr.abs _section_cstart, $3  }
0xc3: {  	[dreg:$0x1] =	wrdreg $0xFFFFFFFF  }
0xc4: {  	_ =	task.clear_ibuf [dreg:s8], $0x2FFFF;
	_ =	strace $0x9FFFFFFF  }
0xc5: {  	(tm) =	ssettm $0x7FFFFFFF  }
tec
execute0_lowered:
.L_overlay_start_1:
0x0: {  	(tag) =	ssettag $0x1  }
0x1: {  	s0 =	rddreg [dreg:$0x0]  }
0x2: {  	s21 =	rddreg [dreg:$0x1]  }
0x3: {  	s1 =	rddreg [dreg:$0x2]  }
0x4: {  	s17 =	rddreg [dreg:$0x3];
	s3 =	simm.s32 $0x0  }
0x5: {  	s4 =	srdreg.scid;
	s13 =	stileid.u32;
	s28 =	simm.s32 $0x2  }
0x6: {  	s30 =	simm.s32 $0x2940;
	s31 =	simm.s32 $0xF0;
	s14 =	simm.s32 $0x4  }
0x7: {  	[smem:$0x7FF] =	sst s3;
	s5 =	sadd.s32 $0x14A00, s0;
	s6 =	sadd.s32 $0xAC00, s0  }
0x8: {  	s7 =	sadd.s32 $0xE00, s0;
	s4 =	sand.u32 $0x1, s4;
	s9 =	sshll.u32 s13, $0x1  }
0x9: {  	s10 =	smul.u32 $0x13800, s13;
	s0 =	sadd.s32 $0x28400, s0;
	s19 =	sadd.s32 $0x124800, s17  }
0xa: {  	p0 =	seq.s32 s13, $0xF;
	s13 =	simm.s32 $0x0;
	_ =	strace $0x80000047  }
0xb: {  	s8 =	ssub.s32 $0x2, s4;
	s9 =	sor.u32 s4, s9;
	s4 =	smul.u32 $0x138800, s4  }
0xc: {  	[dreg:$0x7] =	wrdreg s19;
	s11 =	sshrl.u32 s8, $0x1;
	s16 =	smul.u32 $0x2710, s9  }
0xd: {  	s12 =	sshrl.u32 s10, $0x3;
	s2 =	sadd.s32 s10, s17;
	s9 =	smul.u32 $0x27100, s9  }
0xe: {  	s11 =	ssub.s32 s8, s11;
	[dreg:$0x5] =	wrdreg s2;
	s18 =	sadd.s32 s1, s12  }
0xf: {  	s1 =	sadd.s32 $0x24900, s1;
	s25 =	sadd.s32 s10, s4;
	s4 =	sshrl.u32 s4, $0x3  }
0x10: {  	s10 =	simm.s32 $0x9;
	s12 =	simm.s32 $0x6;
	[dreg:$0x6] =	wrdreg s18  }
0x11: {  	s20 =	sshrl.u32 s16, $0x3;
	[dreg:$0x8] =	wrdreg s1;
	s24 =	sadd.s32 s21, s9  }
0x12: {  	s26 =	sadd.s32 $0xA0, s16;
	s2 =	smov.u32 s16;
	[dreg:$0xb] =	wrdreg s24  }
0x13: {  	s18 =	sadd.s32 $0xF0, s16;
	s29 =	smax.u32 s11, $0x1;
	[dreg:$0xd] =	wrdreg s26  }
0x14: {  	s9 =	simm.s32 $0x3;
	s23 =	sadd.s32 s7, s20;
	[dreg:$0x10] =	wrdreg s29  }
0x15: {  	s11 =	simm.s32 $0x8;
	s22 =	sadd.s32 s6, s20;
	[dreg:$0xa] =	wrdreg s23  }
0x16: {  	s24 =	simm.s32 $0x1;
	[dreg:$0x9] =	wrdreg s22;
	s1 =	sadd.s32 $0xA, s22  }
0x17: {  	s22 =	simm.s32 $0xA0;
	[dreg:$0xc] =	wrdreg s1;
	s1 =	sshrl.u32 s25, $0x3  }
0x18: {  	s23 =	simm.s32 $0x140;
	s1 =	sadd.s32 s0, s1;
	s0 =	sadd.s32 s0, s4  }
0x19: {  	s25 =	simm.s32 $0x50;
	[dreg:$0xe] =	wrdreg s1;
	s0 =	sadd.s32 $0x24900, s0  }
0x1a: {  	s4 =	simm.s32 $0x5;
	[dreg:$0xf] =	wrdreg s0;
	s0 =	simm.s32 $0x7  }
.LBB2_1:
0x1b: {  	[dreg:$0x11] =	wrdreg s13  }
0x1c: {  	s1 =	rddreg [dreg:$0x7]  }
0x1d: {  	s8 =	rddreg [dreg:$0x8];
	s13 =	sshrl.u32 @p0 s1, $0x3  }
0x1e: {  	s1 =	simm.s32 @p0 $0x1FCB;
	[dreg:$0x12] =	wrdreg s13  }
0x1f: {  	[spmem:s13], [sflag:s1] =	dma.local @p0 [hbm:s8], $0x2800  }
0x20: {  	s1 =	simm.s32 @p0 $0xB  }
0x21: {  	s8 =	stileid.u32;
	_ =	swait.ge @p0 [sflag:s1], $0x2800  }
0x22: {  	s13 =	sshll.u32 @!p0 s8, $0x6;
	[sflag:s1] =	ssyncset.done @p0 $0x0  }
0x23: {  	s8 =	sor.u32 @!p0 $0x1C0B, s13;
	[sflag:s1] =	ssyncadd.s32 @p0 $0xFFFFD800;
	s1 =	rddreg [dreg:$0x5]  }
0x24: {  	[dreg:$0x13] =	wrdreg s8  }
0x25: {  	s13 =	sshrl.u32 @!p0 s1, $0x3;
	s1 =	rddreg [dreg:$0x6]  }
0x26: {  	[dreg:$0x14] =	wrdreg s13  }
0x27: {  	[spmem:s13], [sflag:s8] =	dma.local @!p0 [hbm:s1], $0x2700  }
0x28: {  	s1 =	simm.s32 @!p0 $0xB  }
0x29: {  	_ =	swait.ge @!p0 [sflag:s1], $0x2700  }
0x2a: {  	[sflag:s1] =	ssyncset.done @!p0 $0x0  }
0x2b: {  	[sflag:s1] =	ssyncadd.s32 @!p0 $0xFFFFD900  }
0x2c: {  	[bflag:$0x0] =	sbarrier.arrive $0xFFFF  }
0x2d: {  	s16 =	rddreg [dreg:$0x9]  }
0x2e: {  	[tilespmem:s3], [sflag:$0x1] =	stream.linear.gather [hbm4b:s16+s3], $0x50, $0x38;
	[tilespmem:$0x1B1C0] =	vst v63  }
0x2f: {  	s19 =	rddreg [dreg:$0xa]  }
0x30: {  	[tilespmem:s22], [sflag:$0x3] =	stream.linear.gather [hbm4b:s19+s3], $0x50, $0x38;
	[tilespmem:$0x1B1C0] =	vst v63  }
0x31: {  	s20 =	rddreg [dreg:$0xb]  }
0x32: {  	[tilespmem:s23], [sflag:$0x5] =	stream.linear.gather [hbm4b:s20+s3], $0x2800, $0x38;
	[tilespmem:$0x1B1C0] =	vst v63  }
0x33: {  	_ =	swait.ge [sflag:s24], $0x50  }
0x34: {  	[sflag:s24] =	ssyncset.done $0x0  }
0x35: {  	s26 =	simm.s32 $0x5140;
	[sflag:s24] =	ssyncadd.s32 $0xFFFFFFB0  }
0x36: {  	[tilespmem:s26], [sflag:$0x7] =	stream.indirect.gather [hbm4b:s5+s25], $0x40, s3, s25, $0xb8;
	[tilespmem:$0x1B1C0] =	vst v63  }
0x37: {  	s13 =	simm.s32 $0x0;
	s29 =	rddreg [dreg:$0xc]  }
0x38: {  	[tilespmem:s25], [sflag:$0x2] =	stream.linear.gather [hbm4b:s29+s3], $0x50, $0x38;
	[tilespmem:$0x1B1C0] =	vst v63  }
.LBB2_2:
0x39: {  	p1 =	seq.s32 s13, $0x0  }
0x3a: {  	s15 =	sshll.u32 s13, $0x1;
	s1 =	simm.s32 @!p1 $0xA  }
0x3b: {  	s15 =	sor.u32 $0x1, s15;
	_ =	swait.ge @!p1 [sflag:s1], $0x2800  }
0x3c: {  	s20 =	smul.u32 $0x50, s15;
	[sflag:s1] =	ssyncset.done @!p1 $0x0  }
0x3d: {  	[sflag:s1] =	ssyncadd.s32 @!p1 $0xFFFFD800  }
0x3e: {  	s1 =	sadd.s32 s2, s20;
	_ =	swait.ge [sflag:s28], $0x50  }
0x3f: {  	s16 =	sshll.u32 s1, $0x4;
	[sflag:s28] =	ssyncset.done $0x0  }
0x40: {  	s8 =	simm.s32 $0x6540;
	s16 =	sand.u32 $0x1FFFFF00, s16;
	[sflag:s28] =	ssyncadd.s32 $0xFFFFFFB0  }
0x41: {  	[tilespmem:s8], [sflag:$0x8] =	stream.indirect.gather [hbm4b:s5+s25], $0x40, s25, s25, $0xb8;
	[tilespmem:$0x1B1C0] =	vst v63  }
0x42: {  	s1 =	sshrl.u32 s1, $0x3;
	s16 =	sadd.s32 s21, s16  }
0x43: {  	[tilespmem:s30], [sflag:$0x6] =	stream.linear.gather [hbm4b:s16+s3], $0x2800, $0x38;
	[tilespmem:$0x1B1C0] =	vst v63  }
0x44: {  	s1 =	sadd.s32 s7, s1  }
0x45: {  	[tilespmem:s31], [sflag:$0x4] =	stream.linear.gather [hbm4b:s1+s3], $0x50, $0x38;
	[tilespmem:$0x1B1C0] =	vst v63  }
0x46: {  	s19 =	smul.u32 $0xA0, s13;
	_ =	swait.ge [sflag:s0], $0x1400  }
0x47: {  	s26 =	rddreg [dreg:$0xd]  }
0x48: {  	s8 =	smov.u32 s21;
	s21 =	sadd.s32 s19, s26  }
0x49: {  	[sflag:s0] =	ssyncset.done $0x0;
	s20 =	sshrl.u32 s21, $0x3  }
0x4a: {  	[sflag:s0] =	ssyncadd.s32 $0xFFFFEC00;
	s16 =	sadd.s32 s6, s20  }
0x4b: {  	[tilespmem:s3], [sflag:$0x1] =	stream.linear.gather [hbm4b:s16+s3], $0x50, $0x38;
	[tilespmem:$0x1B1C0] =	vst v63  }
0x4c: {  	_ =	swait.ge [sflag:s4], $0x2800  }
0x4d: {  	[sflag:s4] =	ssyncset.done $0x0  }
0x4e: {  	s26 =	simm.s32 $0x51C0;
	[sflag:s4] =	ssyncadd.s32 $0xFFFFD800  }
0x4f: {  	s16 =	simm.s32 $0x240;
	v0 =	vld [tilespmem:s26+$0x40]  }
0x50: {  	v1 =	vld [tilespmem:s16+$0x80]  }
0x51: {  	v2 =	vld [tilespmem:s16+$0x90]  }
0x52: {  	v3 =	vld [tilespmem:s26+$0xFFFFFFC0]  }
0x53: {  	v4 =	vld [tilespmem:s26+$0xFFFFFF80]  }
0x54: {  	v6 =	vld [tilespmem:s16+$0xFFFFFF00];
	v5 =	vshll.u32 v0, $0x10  }
0x55: {  	v7 =	vld [tilespmem:s26+$0x0];
	v0 =	vand.u32 $0xFFFF0000, v0;
	v1 =	vadd.f32 v5, v1  }
0x56: {  	v5 =	vld [tilespmem:s16+$0xFFFFFF10];
	v0 =	vadd.f32 v0, v2  }
0x57: {  	v2 =	vld [tilespmem:s16+$0xFFFFFF80];
	v1 =	vmax.f32 v1, $0.0e+00  }
0x58: {  	v8 =	vld [tilespmem:s16+$0xFFFFFF90];
	v0 =	vmax.f32 v0, $0.0e+00;
	[tilespmem:s16+$0x80] =	vst v1  }
0x59: {  	v9 =	vld [tilespmem:s16+$0x0];
	v1 =	vshll.u32 v4, $0x10;
	[tilespmem:s16+$0x90] =	vst v0  }
0x5a: {  	v4 =	vand.u32 $0xFFFF0000, v4;
	v0 =	vadd.f32 v1, v6;
	v1 =	vld [tilespmem:s26+$0x50]  }
0x5b: {  	v6 =	vld [tilespmem:s16+$0xA0];
	v4 =	vadd.f32 v4, v5;
	v5 =	vshll.u32 v3, $0x10  }
0x5c: {  	v3 =	vand.u32 $0xFFFF0000, v3;
	v0 =	vmax.f32 v0, $0.0e+00;
	v2 =	vadd.f32 v5, v2;
	v5 =	vld [tilespmem:s16+$0xB0]  }
0x5d: {  	v3 =	vadd.f32 v3, v8;
	[tilespmem:s16+$0xFFFFFF00] =	vst v0;
	v0 =	vmax.f32 v4, $0.0e+00  }
0x5e: {  	v10 =	vld [tilespmem:s16+$0xFFFFFF30];
	[tilespmem:s16+$0xFFFFFF10] =	vst v0;
	v0 =	vshll.u32 v7, $0x10;
	v2 =	vmax.f32 v2, $0.0e+00  }
0x5f: {  	v4 =	vld [tilespmem:s16+$0x10];
	v0 =	vadd.f32 v0, v9;
	[tilespmem:s16+$0xFFFFFF80] =	vst v2;
	v2 =	vmax.f32 v3, $0.0e+00;
	v3 =	vshll.u32 v1, $0x10  }
0x60: {  	v9 =	vld [tilespmem:s26+$0xFFFFFF90];
	v1 =	vand.u32 $0xFFFF0000, v1;
	[tilespmem:s16+$0xFFFFFF90] =	vst v2;
	v2 =	vadd.f32 v3, v6  }
0x61: {  	v8 =	vld [tilespmem:s16+$0xFFFFFF20];
	v0 =	vmax.f32 v0, $0.0e+00;
	v1 =	vadd.f32 v1, v5  }
0x62: {  	v6 =	vld [tilespmem:s16+$0xFFFFFFB0];
	[tilespmem:s16+$0x0] =	vst v0;
	v2 =	vmax.f32 v2, $0.0e+00  }
0x63: {  	v3 =	vld [tilespmem:s26+$0xFFFFFFD0];
	v5 =	vand.u32 $0xFFFF0000, v7;
	[tilespmem:s16+$0xA0] =	vst v2;
	v1 =	vmax.f32 v1, $0.0e+00  }
0x64: {  	v0 =	vld [tilespmem:s16+$0xFFFFFFA0];
	v2 =	vadd.f32 v5, v4;
	[tilespmem:s16+$0xB0] =	vst v1  }
0x65: {  	v1 =	vshll.u32 v9, $0x10;
	v5 =	vld [tilespmem:s26+$0x60]  }
0x66: {  	v7 =	vand.u32 $0xFFFF0000, v9;
	v2 =	vmax.f32 v2, $0.0e+00;
	v1 =	vadd.f32 v1, v8;
	v8 =	vld [tilespmem:s16+$0xC0]  }
0x67: {  	v7 =	vadd.f32 v7, v10;
	[tilespmem:s16+$0x10] =	vst v2;
	v2 =	vld [tilespmem:s16+$0xD0]  }
0x68: {  	v9 =	vshll.u32 v3, $0x10;
	v1 =	vmax.f32 v1, $0.0e+00;
	v10 =	vld [tilespmem:s26+$0x10]  }
0x69: {  	v4 =	vld [tilespmem:s16+$0x20];
	v3 =	vand.u32 $0xFFFF0000, v3;
	v7 =	vmax.f32 v7, $0.0e+00;
	v0 =	vadd.f32 v9, v0;
	[tilespmem:s16+$0xFFFFFF20] =	vst v1  }
0x6a: {  	v1 =	vadd.f32 v3, v6;
	[tilespmem:s16+$0xFFFFFF30] =	vst v7;
	v3 =	vld [tilespmem:s16+$0x30]  }
0x6b: {  	v0 =	vmax.f32 v0, $0.0e+00;
	v6 =	vld [tilespmem:s26+$0xFFFFFFA0];
	v7 =	vshll.u32 v5, $0x10  }
0x6c: {  	[tilespmem:s16+$0xFFFFFFA0] =	vst v0;
	v0 =	vmax.f32 v1, $0.0e+00;
	v1 =	vld [tilespmem:s16+$0xFFFFFF40];
	v5 =	vand.u32 $0xFFFF0000, v5;
	v7 =	vadd.f32 v7, v8  }
0x6d: {  	[tilespmem:s16+$0xFFFFFFB0] =	vst v0;
	v0 =	vadd.f32 v5, v2;
	v2 =	vld [tilespmem:s16+$0xFFFFFF50];
	v5 =	vshll.u32 v10, $0x10  }
0x6e: {  	v8 =	vld [tilespmem:s26+$0xFFFFFFE0];
	v9 =	vand.u32 $0xFFFF0000, v10;
	v7 =	vmax.f32 v7, $0.0e+00;
	v4 =	vadd.f32 v5, v4  }
0x6f: {  	v5 =	vld [tilespmem:s16+$0xFFFFFFC0];
	v3 =	vadd.f32 v9, v3;
	v0 =	vmax.f32 v0, $0.0e+00;
	[tilespmem:s16+$0xC0] =	vst v7  }
0x70: {  	v9 =	vld [tilespmem:s16+$0xFFFFFFD0];
	v7 =	vshll.u32 v6, $0x10;
	[tilespmem:s16+$0xD0] =	vst v0;
	v0 =	vmax.f32 v4, $0.0e+00  }
0x71: {  	v4 =	vand.u32 $0xFFFF0000, v6;
	v1 =	vadd.f32 v7, v1;
	v3 =	vmax.f32 v3, $0.0e+00;
	v6 =	vld [tilespmem:s26+$0x70];
	[tilespmem:s16+$0x20] =	vst v0  }
0x72: {  	v0 =	vld [tilespmem:s16+$0xF0];
	[tilespmem:s16+$0x30] =	vst v3  }
0x73: {  	v2 =	vadd.f32 v4, v2;
	v3 =	vshll.u32 v8, $0x10;
	v1 =	vmax.f32 v1, $0.0e+00;
	v4 =	vld [tilespmem:s26+$0x20]  }
0x74: {  	v7 =	vand.u32 $0xFFFF0000, v8;
	v8 =	vld [tilespmem:s16+$0x40];
	[tilespmem:s16+$0xFFFFFF40] =	vst v1;
	v1 =	vadd.f32 v3, v5  }
0x75: {  	v2 =	vmax.f32 v2, $0.0e+00;
	v3 =	vadd.f32 v7, v9;
	v5 =	vld [tilespmem:s16+$0x50]  }
0x76: {  	v9 =	vld [tilespmem:s16+$0xFFFFFF70];
	[tilespmem:s16+$0xFFFFFF50] =	vst v2;
	v1 =	vmax.f32 v1, $0.0e+00  }
0x77: {  	v7 =	vld [tilespmem:s26+$0xFFFFFFB0];
	[tilespmem:s16+$0xFFFFFFC0] =	vst v1;
	v1 =	vmax.f32 v3, $0.0e+00  }
0x78: {  	v2 =	vld [tilespmem:s16+$0xFFFFFF60];
	v3 =	vand.u32 $0xFFFF0000, v6;
	[tilespmem:s16+$0xFFFFFFD0] =	vst v1  }
0x79: {  	v1 =	vshll.u32 v4, $0x10;
	v0 =	vadd.f32 v3, v0;
	v10 =	vld [tilespmem:s26+$0xFFFFFFF0]  }
0x7a: {  	v3 =	vand.u32 $0xFFFF0000, v4;
	v1 =	vadd.f32 v1, v8;
	v8 =	vld [tilespmem:s16+$0xFFFFFFE0]  }
0x7b: {  	v4 =	vadd.f32 v3, v5;
	v3 =	vld [tilespmem:s16+$0xFFFFFFF0];
	v0 =	vmax.f32 v0, $0.0e+00  }
0x7c: {  	v5 =	vmax.f32 v1, $0.0e+00;
	v1 =	vld [tilespmem:s16+$0x60];
	v11 =	vshll.u32 v7, $0x10;
	[tilespmem:s16+$0xF0] =	vst v0  }
0x7d: {  	v4 =	vmax.f32 v4, $0.0e+00;
	[tilespmem:s16+$0x40] =	vst v5;
	v5 =	vand.u32 $0xFFFF0000, v7;
	v11 =	vadd.f32 v11, v2;
	v2 =	vld [tilespmem:s16+$0x70]  }
0x7e: {  	v0 =	vshll.u32 v6, $0x10;
	[tilespmem:s16+$0x50] =	vst v4;
	v4 =	vld [tilespmem:s16+$0xE0];
	v6 =	vadd.f32 v5, v9;
	v5 =	vshll.u32 v10, $0x10  }
0x7f: {  	s29 =	simm.s32 $0x0;
	s1 =	simm.s32 $0x240;
	v7 =	vand.u32 $0xFFFF0000, v10;
	v9 =	vmax.f32 v11, $0.0e+00;
	v8 =	vadd.f32 v5, v8;
	v5 =	vld [tilespmem:s26+$0x30];
	s26 =	simm.s32 $0x52C0  }
.LBB2_3:
0x80: {  	v10 =	vld [tilespmem:s26+$0x40];
	[tilespmem:s16+$0xFFFFFF60] =	vst v9;
	v6 =	vmax.f32 v6, $0.0e+00;
	v3 =	vadd.f32 v7, v3;
	s1 =	sadd.s32 $0x200, s1  }
0x81: {  	v7 =	vld [tilespmem:s1+$0x80];
	[tilespmem:s16+$0xFFFFFF70] =	vst v6;
	v6 =	vmax.f32 v8, $0.0e+00  }
0x82: {  	v8 =	vld [tilespmem:s1+$0x90];
	[tilespmem:s16+$0xFFFFFFE0] =	vst v6;
	v3 =	vmax.f32 v3, $0.0e+00  }
0x83: {  	s29 =	sadd.s32 $0x4, s29;
	v6 =	vld [tilespmem:s26+$0xFFFFFFC0];
	[tilespmem:s16+$0xFFFFFFF0] =	vst v3;
	v0 =	vadd.f32 v0, v4  }
0x84: {  	p1 =	slt.u32 s29, $0x4C;
	v3 =	vld [tilespmem:s26+$0x0];
	v4 =	vshll.u32 v5, $0x10;
	v5 =	vand.u32 $0xFFFF0000, v5  }
0x85: {  	v9 =	vld [tilespmem:s26+$0xFFFFFF80];
	v11 =	vshll.u32 v10, $0x10;
	v1 =	vadd.f32 v4, v1;
	v2 =	vadd.f32 v5, v2  }
0x86: {  	v5 =	vand.u32 $0xFFFF0000, v10;
	v0 =	vmax.f32 v0, $0.0e+00;
	v4 =	vld [tilespmem:s1+$0xFFFFFF00];
	v7 =	vadd.f32 v11, v7  }
0x87: {  	v10 =	vld [tilespmem:s1+$0xFFFFFF10];
	v5 =	vadd.f32 v5, v8;
	v1 =	vmax.f32 v1, $0.0e+00;
	v2 =	vmax.f32 v2, $0.0e+00;
	[tilespmem:s16+$0xE0] =	vst v0  }
0x88: {  	v0 =	vshll.u32 v6, $0x10;
	v6 =	vand.u32 $0xFFFF0000, v6;
	v8 =	vld [tilespmem:s1+$0xFFFFFF80];
	v7 =	vmax.f32 v7, $0.0e+00;
	[tilespmem:s16+$0x60] =	vst v1  }
0x89: {  	v1 =	vld [tilespmem:s1+$0xFFFFFF90];
	v11 =	vshll.u32 v3, $0x10;
	v3 =	vand.u32 $0xFFFF0000, v3;
	[tilespmem:s1+$0x80] =	vst v7;
	v5 =	vmax.f32 v5, $0.0e+00  }
0x8a: {  	v7 =	vshll.u32 v9, $0x10;
	v9 =	vand.u32 $0xFFFF0000, v9;
	v12 =	vld [tilespmem:s1+$0x0];
	[tilespmem:s1+$0x90] =	vst v5  }
0x8b: {  	v4 =	vadd.f32 v7, v4;
	v5 =	vld [tilespmem:s26+$0x50];
	[tilespmem:s16+$0x70] =	vst v2;
	s16 =	smov.u32 s1  }
0x8c: {  	v2 =	vadd.f32 v9, v10;
	v7 =	vld [tilespmem:s1+$0xA0]  }
0x8d: {  	v4 =	vmax.f32 v4, $0.0e+00;
	v0 =	vadd.f32 v0, v8;
	v8 =	vld [tilespmem:s1+$0xB0]  }
0x8e: {  	[tilespmem:s1+$0xFFFFFF00] =	vst v4;
	v2 =	vmax.f32 v2, $0.0e+00;
	v1 =	vadd.f32 v6, v1;
	v4 =	vld [tilespmem:s1+$0x10]  }
0x8f: {  	[tilespmem:s1+$0xFFFFFF10] =	vst v2;
	v2 =	vld [tilespmem:s1+$0xFFFFFF20];
	v0 =	vmax.f32 v0, $0.0e+00;
	v6 =	vadd.f32 v11, v12  }
0x90: {  	v9 =	vld [tilespmem:s26+$0xFFFFFF90];
	[tilespmem:s1+$0xFFFFFF80] =	vst v0;
	v0 =	vmax.f32 v1, $0.0e+00;
	v1 =	vshll.u32 v5, $0x10  }
0x91: {  	v5 =	vand.u32 $0xFFFF0000, v5;
	v10 =	vld [tilespmem:s1+$0xFFFFFF30];
	[tilespmem:s1+$0xFFFFFF90] =	vst v0;
	v0 =	vmax.f32 v6, $0.0e+00;
	v1 =	vadd.f32 v1, v7  }
0x92: {  	v6 =	vld [tilespmem:s26+$0xFFFFFFD0];
	[tilespmem:s1+$0x0] =	vst v0;
	v0 =	vadd.f32 v5, v8  }
0x93: {  	v5 =	vld [tilespmem:s1+$0xFFFFFFA0];
	v3 =	vadd.f32 v3, v4;
	v1 =	vmax.f32 v1, $0.0e+00  }
0x94: {  	v4 =	vld [tilespmem:s1+$0xFFFFFFB0];
	[tilespmem:s1+$0xA0] =	vst v1;
	v0 =	vmax.f32 v0, $0.0e+00  }
0x95: {  	v1 =	vshll.u32 v9, $0x10;
	v7 =	vand.u32 $0xFFFF0000, v9;
	v3 =	vmax.f32 v3, $0.0e+00;
	v8 =	vld [tilespmem:s1+$0x20];
	[tilespmem:s1+$0xB0] =	vst v0  }
0x96: {  	v0 =	vadd.f32 v1, v2;
	v1 =	vadd.f32 v7, v10;
	[tilespmem:s1+$0x10] =	vst v3;
	v2 =	vld [tilespmem:s26+$0x60]  }
0x97: {  	v3 =	vshll.u32 v6, $0x10;
	v6 =	vand.u32 $0xFFFF0000, v6;
	v7 =	vld [tilespmem:s1+$0xC0]  }
0x98: {  	v0 =	vmax.f32 v0, $0.0e+00;
	v1 =	vmax.f32 v1, $0.0e+00;
	v3 =	vadd.f32 v3, v5;
	v5 =	vld [tilespmem:s1+$0xD0]  }
0x99: {  	[tilespmem:s1+$0xFFFFFF20] =	vst v0;
	v0 =	vadd.f32 v6, v4;
	v4 =	vld [tilespmem:s26+$0x10]  }
0x9a: {  	[tilespmem:s1+$0xFFFFFF30] =	vst v1;
	v1 =	vmax.f32 v3, $0.0e+00;
	v3 =	vld [tilespmem:s1+$0x30]  }
0x9b: {  	v6 =	vld [tilespmem:s26+$0xFFFFFFA0];
	[tilespmem:s1+$0xFFFFFFA0] =	vst v1;
	v0 =	vmax.f32 v0, $0.0e+00;
	v1 =	vshll.u32 v2, $0x10  }
0x9c: {  	v9 =	vld [tilespmem:s1+$0xFFFFFF40];
	[tilespmem:s1+$0xFFFFFFB0] =	vst v0;
	v0 =	vand.u32 $0xFFFF0000, v2;
	v1 =	vadd.f32 v1, v7  }
0x9d: {  	v2 =	vld [tilespmem:s26+$0xFFFFFFE0];
	v0 =	vadd.f32 v0, v5  }
0x9e: {  	v5 =	vld [tilespmem:s1+$0xFFFFFF50];
	v7 =	vshll.u32 v4, $0x10;
	v4 =	vand.u32 $0xFFFF0000, v4;
	v1 =	vmax.f32 v1, $0.0e+00  }
0x9f: {  	v10 =	vld [tilespmem:s1+$0xFFFFFFC0];
	v7 =	vadd.f32 v7, v8;
	v3 =	vadd.f32 v4, v3;
	[tilespmem:s1+$0xC0] =	vst v1;
	v0 =	vmax.f32 v0, $0.0e+00  }
0xa0: {  	v1 =	vshll.u32 v6, $0x10;
	v4 =	vand.u32 $0xFFFF0000, v6;
	v6 =	vld [tilespmem:s1+$0xFFFFFFD0];
	[tilespmem:s1+$0xD0] =	vst v0  }
0xa1: {  	v0 =	vadd.f32 v1, v9;
	v1 =	vmax.f32 v7, $0.0e+00;
	v3 =	vmax.f32 v3, $0.0e+00;
	v7 =	vld [tilespmem:s26+$0x70]  }
0xa2: {  	v8 =	vshll.u32 v2, $0x10;
	v2 =	vand.u32 $0xFFFF0000, v2;
	[tilespmem:s1+$0x20] =	vst v1;
	v1 =	vld [tilespmem:s1+$0xF0]  }
0xa3: {  	v0 =	vmax.f32 v0, $0.0e+00;
	v4 =	vadd.f32 v4, v5;
	[tilespmem:s1+$0x30] =	vst v3;
	v3 =	vld [tilespmem:s1+$0x40]  }
0xa4: {  	[tilespmem:s1+$0xFFFFFF40] =	vst v0;
	v0 =	vadd.f32 v8, v10;
	v5 =	vld [tilespmem:s26+$0x20]  }
0xa5: {  	v4 =	vmax.f32 v4, $0.0e+00;
	v2 =	vadd.f32 v2, v6;
	v6 =	vld [tilespmem:s1+$0x50]  }
0xa6: {  	[tilespmem:s1+$0xFFFFFF50] =	vst v4;
	v4 =	vld [tilespmem:s1+$0xFFFFFF60];
	v8 =	vmax.f32 v0, $0.0e+00;
	v0 =	vshll.u32 v7, $0x10;
	v7 =	vand.u32 $0xFFFF0000, v7  }
0xa7: {  	v9 =	vld [tilespmem:s26+$0xFFFFFFB0];
	[tilespmem:s1+$0xFFFFFFC0] =	vst v8;
	v2 =	vmax.f32 v2, $0.0e+00;
	v1 =	vadd.f32 v7, v1  }
0xa8: {  	v7 =	vld [tilespmem:s1+$0xFFFFFF70];
	[tilespmem:s1+$0xFFFFFFD0] =	vst v2  }
0xa9: {  	v8 =	vld [tilespmem:s26+$0xFFFFFFF0];
	v2 =	vshll.u32 v5, $0x10;
	v5 =	vand.u32 $0xFFFF0000, v5;
	v1 =	vmax.f32 v1, $0.0e+00  }
0xaa: {  	v10 =	vld [tilespmem:s1+$0xFFFFFFE0];
	v2 =	vadd.f32 v2, v3;
	v5 =	vadd.f32 v5, v6;
	[tilespmem:s1+$0xF0] =	vst v1  }
.Ltmp0:
0xab: {  	v3 =	vld [tilespmem:s1+$0xFFFFFFF0];
	(pc) =	sbr.rel @p1 .LBB2_3-.Ltmp0, $4  }
0xac: {  	v6 =	vshll.u32 v9, $0x10;
	v2 =	vmax.f32 v2, $0.0e+00;
	v5 =	vmax.f32 v5, $0.0e+00;
	v1 =	vld [tilespmem:s1+$0x60]  }
0xad: {  	v9 =	vand.u32 $0xFFFF0000, v9;
	v11 =	vadd.f32 v6, v4;
	[tilespmem:s1+$0x40] =	vst v2;
	v2 =	vld [tilespmem:s1+$0x70]  }
0xae: {  	v6 =	vadd.f32 v9, v7;
	v12 =	vshll.u32 v8, $0x10;
	v7 =	vand.u32 $0xFFFF0000, v8;
	[tilespmem:s1+$0x50] =	vst v5;
	v4 =	vld [tilespmem:s1+$0xE0]  }
0xaf: {  	v9 =	vmax.f32 v11, $0.0e+00;
	v8 =	vadd.f32 v12, v10;
	v5 =	vld [tilespmem:s26+$0x30];
	s26 =	sadd.s32 $0x100, s26  }
0xb0: {  	_ =	sdelay $0x2  }
0xb1: {  	[tilespmem:s16+$0xFFFFFF60] =	vst v9;
	v6 =	vmax.f32 v6, $0.0e+00;
	v3 =	vadd.f32 v7, v3  }
0xb2: {  	[tilespmem:s16+$0xFFFFFF70] =	vst v6;
	v6 =	vmax.f32 v8, $0.0e+00;
	v0 =	vadd.f32 v0, v4;
	v4 =	vshll.u32 v5, $0x10  }
0xb3: {  	[tilespmem:s16+$0xFFFFFFE0] =	vst v6;
	v3 =	vmax.f32 v3, $0.0e+00;
	v5 =	vand.u32 $0xFFFF0000, v5;
	v1 =	vadd.f32 v4, v1  }
0xb4: {  	[tilespmem:s16+$0xFFFFFFF0] =	vst v3;
	v2 =	vadd.f32 v5, v2;
	v0 =	vmax.f32 v0, $0.0e+00  }
0xb5: {  	[tilespmem:s16+$0xE0] =	vst v0;
	v1 =	vmax.f32 v1, $0.0e+00  }
0xb6: {  	v0 =	vmax.f32 v2, $0.0e+00;
	[tilespmem:s16+$0x60] =	vst v1  }
0xb7: {  	[tilespmem:s16+$0x70] =	vst v0  }
0xb8: {  	_ =	swait.ge [sflag:s9], $0x50  }
0xb9: {  	[sflag:s9] =	ssyncset.done $0x0  }
0xba: {  	[sflag:s9] =	ssyncadd.s32 $0xFFFFFFB0  }
0xbb: {  	[spmem:s17] =	stream.indirect.scatter.add.f32 [tilespmem:s23], [sflag:$0x9], $0x80, s22, s25, $0xb8;
	[tilespmem:$0x1B1C0] =	vst v63  }
0xbc: {  	_ =	swait.ge [sflag:s10], $0x2800  }
0xbd: {  	[sflag:s10] =	ssyncset.done $0x0  }
0xbe: {  	[sflag:s10] =	ssyncadd.s32 $0xFFFFD800  }
0xbf: {  	_ =	swait.ge [sflag:s24], $0x50  }
0xc0: {  	[sflag:s24] =	ssyncset.done $0x0  }
0xc1: {  	s1 =	simm.s32 $0x5140;
	s21 =	sshll.u32 s21, $0x4;
	[sflag:s24] =	ssyncadd.s32 $0xFFFFFFB0  }
0xc2: {  	[tilespmem:s1], [sflag:$0x7] =	stream.indirect.gather [hbm4b:s5+s25], $0x40, s3, s25, $0xb8;
	[tilespmem:$0x1B1C0] =	vst v63  }
0xc3: {  	s1 =	sand.u32 $0x1FFFFF00, s21  }
0xc4: {  	s1 =	sadd.s32 s8, s1  }
0xc5: {  	[tilespmem:s23], [sflag:$0x5] =	stream.linear.gather [hbm4b:s1+s3], $0x2800, $0x38;
	[tilespmem:$0x1B1C0] =	vst v63  }
0xc6: {  	s26 =	sadd.s32 s7, s20;
	p1 =	sgt.u32 s15, $0x7A  }
0xc7: {  	[tilespmem:s22], [sflag:$0x3] =	stream.linear.gather [hbm4b:s26+s3], $0x50, $0x38;
	[tilespmem:$0x1B1C0] =	vst v63  }
0xc8: {  	s1 =	sadd.s32 @!p1 s19, s18;
	_ =	swait.ge [sflag:s11], $0x1400  }
0xc9: {  	s15 =	simm.s32 @!p1 $0x0;
	s1 =	sshrl.u32 @!p1 s1, $0x3;
	[sflag:s11] =	ssyncset.done $0x0  }
0xca: {  	s16 =	simm.s32 @!p1 $0x50;
	s1 =	sadd.s32 @!p1 s6, s1;
	[sflag:s11] =	ssyncadd.s32 $0xFFFFEC00  }
0xcb: {  	[tilespmem:s16], [sflag:$0x2] =	stream.linear.gather @!p1 [hbm4b:s1+s15], $0x50, $0x38;
	[tilespmem:$0x1B1C0] =	vst v63  }
0xcc: {  	_ =	swait.ge [sflag:s12], $0x2800  }
0xcd: {  	[sflag:s12] =	ssyncset.done $0x0  }
0xce: {  	s29 =	simm.s32 $0x65C0;
	[sflag:s12] =	ssyncadd.s32 $0xFFFFD800  }
0xcf: {  	s15 =	simm.s32 $0x2A40;
	v0 =	vld [tilespmem:s29+$0x40]  }
0xd0: {  	v1 =	vld [tilespmem:s15+$0x80]  }
0xd1: {  	v2 =	vld [tilespmem:s15+$0x90]  }
0xd2: {  	v3 =	vld [tilespmem:s29+$0xFFFFFFC0]  }
0xd3: {  	v4 =	vld [tilespmem:s29+$0xFFFFFF80]  }
0xd4: {  	v6 =	vld [tilespmem:s15+$0xFFFFFF00];
	v5 =	vshll.u32 v0, $0x10  }
0xd5: {  	v7 =	vld [tilespmem:s29+$0x0];
	v0 =	vand.u32 $0xFFFF0000, v0;
	v1 =	vadd.f32 v5, v1  }
0xd6: {  	v5 =	vld [tilespmem:s15+$0xFFFFFF10];
	v0 =	vadd.f32 v0, v2  }
0xd7: {  	v2 =	vld [tilespmem:s15+$0xFFFFFF80];
	v1 =	vmax.f32 v1, $0.0e+00  }
0xd8: {  	v8 =	vld [tilespmem:s15+$0xFFFFFF90];
	v0 =	vmax.f32 v0, $0.0e+00;
	[tilespmem:s15+$0x80] =	vst v1  }
0xd9: {  	v9 =	vld [tilespmem:s15+$0x0];
	v1 =	vshll.u32 v4, $0x10;
	[tilespmem:s15+$0x90] =	vst v0  }
0xda: {  	v4 =	vand.u32 $0xFFFF0000, v4;
	v0 =	vadd.f32 v1, v6;
	v1 =	vld [tilespmem:s29+$0x50]  }
0xdb: {  	v6 =	vld [tilespmem:s15+$0xA0];
	v4 =	vadd.f32 v4, v5;
	v5 =	vshll.u32 v3, $0x10  }
0xdc: {  	v3 =	vand.u32 $0xFFFF0000, v3;
	v0 =	vmax.f32 v0, $0.0e+00;
	v2 =	vadd.f32 v5, v2;
	v5 =	vld [tilespmem:s15+$0xB0]  }
0xdd: {  	v3 =	vadd.f32 v3, v8;
	[tilespmem:s15+$0xFFFFFF00] =	vst v0;
	v0 =	vmax.f32 v4, $0.0e+00  }
0xde: {  	v10 =	vld [tilespmem:s15+$0xFFFFFF30];
	[tilespmem:s15+$0xFFFFFF10] =	vst v0;
	v0 =	vshll.u32 v7, $0x10;
	v2 =	vmax.f32 v2, $0.0e+00  }
0xdf: {  	v4 =	vld [tilespmem:s15+$0x10];
	v0 =	vadd.f32 v0, v9;
	[tilespmem:s15+$0xFFFFFF80] =	vst v2;
	v2 =	vmax.f32 v3, $0.0e+00;
	v3 =	vshll.u32 v1, $0x10  }
0xe0: {  	v9 =	vld [tilespmem:s29+$0xFFFFFF90];
	v1 =	vand.u32 $0xFFFF0000, v1;
	[tilespmem:s15+$0xFFFFFF90] =	vst v2;
	v2 =	vadd.f32 v3, v6  }
0xe1: {  	v8 =	vld [tilespmem:s15+$0xFFFFFF20];
	v0 =	vmax.f32 v0, $0.0e+00;
	v1 =	vadd.f32 v1, v5  }
0xe2: {  	v6 =	vld [tilespmem:s15+$0xFFFFFFB0];
	[tilespmem:s15+$0x0] =	vst v0;
	v2 =	vmax.f32 v2, $0.0e+00  }
0xe3: {  	v3 =	vld [tilespmem:s29+$0xFFFFFFD0];
	v5 =	vand.u32 $0xFFFF0000, v7;
	[tilespmem:s15+$0xA0] =	vst v2;
	v1 =	vmax.f32 v1, $0.0e+00  }
0xe4: {  	v0 =	vld [tilespmem:s15+$0xFFFFFFA0];
	v2 =	vadd.f32 v5, v4;
	[tilespmem:s15+$0xB0] =	vst v1  }
0xe5: {  	v1 =	vshll.u32 v9, $0x10;
	v5 =	vld [tilespmem:s29+$0x60]  }
0xe6: {  	v7 =	vand.u32 $0xFFFF0000, v9;
	v2 =	vmax.f32 v2, $0.0e+00;
	v1 =	vadd.f32 v1, v8;
	v8 =	vld [tilespmem:s15+$0xC0]  }
0xe7: {  	v7 =	vadd.f32 v7, v10;
	[tilespmem:s15+$0x10] =	vst v2;
	v2 =	vld [tilespmem:s15+$0xD0]  }
0xe8: {  	v9 =	vshll.u32 v3, $0x10;
	v1 =	vmax.f32 v1, $0.0e+00;
	v10 =	vld [tilespmem:s29+$0x10]  }
0xe9: {  	v4 =	vld [tilespmem:s15+$0x20];
	v3 =	vand.u32 $0xFFFF0000, v3;
	v7 =	vmax.f32 v7, $0.0e+00;
	v0 =	vadd.f32 v9, v0;
	[tilespmem:s15+$0xFFFFFF20] =	vst v1  }
0xea: {  	v1 =	vadd.f32 v3, v6;
	[tilespmem:s15+$0xFFFFFF30] =	vst v7;
	v3 =	vld [tilespmem:s15+$0x30]  }
0xeb: {  	v0 =	vmax.f32 v0, $0.0e+00;
	v6 =	vld [tilespmem:s29+$0xFFFFFFA0];
	v7 =	vshll.u32 v5, $0x10  }
0xec: {  	[tilespmem:s15+$0xFFFFFFA0] =	vst v0;
	v0 =	vmax.f32 v1, $0.0e+00;
	v1 =	vld [tilespmem:s15+$0xFFFFFF40];
	v5 =	vand.u32 $0xFFFF0000, v5;
	v7 =	vadd.f32 v7, v8  }
0xed: {  	[tilespmem:s15+$0xFFFFFFB0] =	vst v0;
	v0 =	vadd.f32 v5, v2;
	v2 =	vld [tilespmem:s15+$0xFFFFFF50];
	v5 =	vshll.u32 v10, $0x10  }
0xee: {  	v8 =	vld [tilespmem:s29+$0xFFFFFFE0];
	v9 =	vand.u32 $0xFFFF0000, v10;
	v7 =	vmax.f32 v7, $0.0e+00;
	v4 =	vadd.f32 v5, v4  }
0xef: {  	v5 =	vld [tilespmem:s15+$0xFFFFFFC0];
	v3 =	vadd.f32 v9, v3;
	v0 =	vmax.f32 v0, $0.0e+00;
	[tilespmem:s15+$0xC0] =	vst v7  }
0xf0: {  	v9 =	vld [tilespmem:s15+$0xFFFFFFD0];
	v7 =	vshll.u32 v6, $0x10;
	[tilespmem:s15+$0xD0] =	vst v0;
	v0 =	vmax.f32 v4, $0.0e+00  }
0xf1: {  	v4 =	vand.u32 $0xFFFF0000, v6;
	v1 =	vadd.f32 v7, v1;
	v3 =	vmax.f32 v3, $0.0e+00;
	v6 =	vld [tilespmem:s29+$0x70];
	[tilespmem:s15+$0x20] =	vst v0  }
0xf2: {  	v0 =	vld [tilespmem:s15+$0xF0];
	[tilespmem:s15+$0x30] =	vst v3  }
0xf3: {  	v2 =	vadd.f32 v4, v2;
	v3 =	vshll.u32 v8, $0x10;
	v1 =	vmax.f32 v1, $0.0e+00;
	v4 =	vld [tilespmem:s29+$0x20]  }
0xf4: {  	v7 =	vand.u32 $0xFFFF0000, v8;
	v8 =	vld [tilespmem:s15+$0x40];
	[tilespmem:s15+$0xFFFFFF40] =	vst v1;
	v1 =	vadd.f32 v3, v5  }
0xf5: {  	v2 =	vmax.f32 v2, $0.0e+00;
	v3 =	vadd.f32 v7, v9;
	v5 =	vld [tilespmem:s15+$0x50]  }
0xf6: {  	v9 =	vld [tilespmem:s15+$0xFFFFFF70];
	[tilespmem:s15+$0xFFFFFF50] =	vst v2;
	v1 =	vmax.f32 v1, $0.0e+00  }
0xf7: {  	v7 =	vld [tilespmem:s29+$0xFFFFFFB0];
	[tilespmem:s15+$0xFFFFFFC0] =	vst v1;
	v1 =	vmax.f32 v3, $0.0e+00  }
0xf8: {  	v2 =	vld [tilespmem:s15+$0xFFFFFF60];
	v3 =	vand.u32 $0xFFFF0000, v6;
	[tilespmem:s15+$0xFFFFFFD0] =	vst v1  }
0xf9: {  	v1 =	vshll.u32 v4, $0x10;
	v0 =	vadd.f32 v3, v0;
	v10 =	vld [tilespmem:s29+$0xFFFFFFF0]  }
0xfa: {  	v3 =	vand.u32 $0xFFFF0000, v4;
	v1 =	vadd.f32 v1, v8;
	v8 =	vld [tilespmem:s15+$0xFFFFFFE0]  }
0xfb: {  	v4 =	vadd.f32 v3, v5;
	v3 =	vld [tilespmem:s15+$0xFFFFFFF0];
	v0 =	vmax.f32 v0, $0.0e+00  }
0xfc: {  	v5 =	vmax.f32 v1, $0.0e+00;
	v1 =	vld [tilespmem:s15+$0x60];
	v11 =	vshll.u32 v7, $0x10;
	[tilespmem:s15+$0xF0] =	vst v0  }
0xfd: {  	v4 =	vmax.f32 v4, $0.0e+00;
	[tilespmem:s15+$0x40] =	vst v5;
	v5 =	vand.u32 $0xFFFF0000, v7;
	v11 =	vadd.f32 v11, v2;
	v2 =	vld [tilespmem:s15+$0x70]  }
0xfe: {  	s21 =	smov.u32 s8;
	v0 =	vshll.u32 v6, $0x10;
	[tilespmem:s15+$0x50] =	vst v4;
	v4 =	vld [tilespmem:s15+$0xE0];
	v6 =	vadd.f32 v5, v9;
	v5 =	vshll.u32 v10, $0x10  }
0xff: {  	s19 =	simm.s32 $0x66C0;
	s16 =	simm.s32 $0x0;
	s1 =	simm.s32 $0x2A40;
	v7 =	vand.u32 $0xFFFF0000, v10;
	v9 =	vmax.f32 v11, $0.0e+00;
	v8 =	vadd.f32 v5, v8;
	v5 =	vld [tilespmem:s29+$0x30]  }
.LBB2_5:
0x100: {  	v10 =	vld [tilespmem:s19+$0x40];
	[tilespmem:s15+$0xFFFFFF60] =	vst v9;
	v6 =	vmax.f32 v6, $0.0e+00;
	v3 =	vadd.f32 v7, v3;
	s1 =	sadd.s32 $0x200, s1  }
0x101: {  	v7 =	vld [tilespmem:s1+$0x80];
	[tilespmem:s15+$0xFFFFFF70] =	vst v6;
	v6 =	vmax.f32 v8, $0.0e+00  }
0x102: {  	v8 =	vld [tilespmem:s1+$0x90];
	[tilespmem:s15+$0xFFFFFFE0] =	vst v6;
	v3 =	vmax.f32 v3, $0.0e+00  }
0x103: {  	s16 =	sadd.s32 $0x4, s16;
	v6 =	vld [tilespmem:s19+$0xFFFFFFC0];
	[tilespmem:s15+$0xFFFFFFF0] =	vst v3;
	v0 =	vadd.f32 v0, v4  }
0x104: {  	p1 =	slt.u32 s16, $0x4C;
	v3 =	vld [tilespmem:s19+$0x0];
	v4 =	vshll.u32 v5, $0x10;
	v5 =	vand.u32 $0xFFFF0000, v5  }
0x105: {  	v9 =	vld [tilespmem:s19+$0xFFFFFF80];
	v11 =	vshll.u32 v10, $0x10;
	v1 =	vadd.f32 v4, v1;
	v2 =	vadd.f32 v5, v2  }
0x106: {  	v5 =	vand.u32 $0xFFFF0000, v10;
	v0 =	vmax.f32 v0, $0.0e+00;
	v4 =	vld [tilespmem:s1+$0xFFFFFF00];
	v7 =	vadd.f32 v11, v7  }
0x107: {  	v10 =	vld [tilespmem:s1+$0xFFFFFF10];
	v5 =	vadd.f32 v5, v8;
	v1 =	vmax.f32 v1, $0.0e+00;
	v2 =	vmax.f32 v2, $0.0e+00;
	[tilespmem:s15+$0xE0] =	vst v0  }
0x108: {  	v0 =	vshll.u32 v6, $0x10;
	v6 =	vand.u32 $0xFFFF0000, v6;
	v8 =	vld [tilespmem:s1+$0xFFFFFF80];
	v7 =	vmax.f32 v7, $0.0e+00;
	[tilespmem:s15+$0x60] =	vst v1  }
0x109: {  	v1 =	vld [tilespmem:s1+$0xFFFFFF90];
	v11 =	vshll.u32 v3, $0x10;
	v3 =	vand.u32 $0xFFFF0000, v3;
	[tilespmem:s1+$0x80] =	vst v7;
	v5 =	vmax.f32 v5, $0.0e+00  }
0x10a: {  	v7 =	vshll.u32 v9, $0x10;
	v9 =	vand.u32 $0xFFFF0000, v9;
	v12 =	vld [tilespmem:s1+$0x0];
	[tilespmem:s1+$0x90] =	vst v5  }
0x10b: {  	v4 =	vadd.f32 v7, v4;
	v5 =	vld [tilespmem:s19+$0x50];
	[tilespmem:s15+$0x70] =	vst v2;
	s15 =	smov.u32 s1  }
0x10c: {  	v2 =	vadd.f32 v9, v10;
	v7 =	vld [tilespmem:s1+$0xA0]  }
0x10d: {  	v4 =	vmax.f32 v4, $0.0e+00;
	v0 =	vadd.f32 v0, v8;
	v8 =	vld [tilespmem:s1+$0xB0]  }
0x10e: {  	[tilespmem:s1+$0xFFFFFF00] =	vst v4;
	v2 =	vmax.f32 v2, $0.0e+00;
	v1 =	vadd.f32 v6, v1;
	v4 =	vld [tilespmem:s1+$0x10]  }
0x10f: {  	[tilespmem:s1+$0xFFFFFF10] =	vst v2;
	v2 =	vld [tilespmem:s1+$0xFFFFFF20];
	v0 =	vmax.f32 v0, $0.0e+00;
	v6 =	vadd.f32 v11, v12  }
0x110: {  	v9 =	vld [tilespmem:s19+$0xFFFFFF90];
	[tilespmem:s1+$0xFFFFFF80] =	vst v0;
	v0 =	vmax.f32 v1, $0.0e+00;
	v1 =	vshll.u32 v5, $0x10  }
0x111: {  	v5 =	vand.u32 $0xFFFF0000, v5;
	v10 =	vld [tilespmem:s1+$0xFFFFFF30];
	[tilespmem:s1+$0xFFFFFF90] =	vst v0;
	v0 =	vmax.f32 v6, $0.0e+00;
	v1 =	vadd.f32 v1, v7  }
0x112: {  	v6 =	vld [tilespmem:s19+$0xFFFFFFD0];
	[tilespmem:s1+$0x0] =	vst v0;
	v0 =	vadd.f32 v5, v8  }
0x113: {  	v5 =	vld [tilespmem:s1+$0xFFFFFFA0];
	v3 =	vadd.f32 v3, v4;
	v1 =	vmax.f32 v1, $0.0e+00  }
0x114: {  	v4 =	vld [tilespmem:s1+$0xFFFFFFB0];
	[tilespmem:s1+$0xA0] =	vst v1;
	v0 =	vmax.f32 v0, $0.0e+00  }
0x115: {  	v1 =	vshll.u32 v9, $0x10;
	v7 =	vand.u32 $0xFFFF0000, v9;
	v3 =	vmax.f32 v3, $0.0e+00;
	v8 =	vld [tilespmem:s1+$0x20];
	[tilespmem:s1+$0xB0] =	vst v0  }
0x116: {  	v0 =	vadd.f32 v1, v2;
	v1 =	vadd.f32 v7, v10;
	[tilespmem:s1+$0x10] =	vst v3;
	v2 =	vld [tilespmem:s19+$0x60]  }
0x117: {  	v3 =	vshll.u32 v6, $0x10;
	v6 =	vand.u32 $0xFFFF0000, v6;
	v7 =	vld [tilespmem:s1+$0xC0]  }
0x118: {  	v0 =	vmax.f32 v0, $0.0e+00;
	v1 =	vmax.f32 v1, $0.0e+00;
	v3 =	vadd.f32 v3, v5;
	v5 =	vld [tilespmem:s1+$0xD0]  }
0x119: {  	[tilespmem:s1+$0xFFFFFF20] =	vst v0;
	v0 =	vadd.f32 v6, v4;
	v4 =	vld [tilespmem:s19+$0x10]  }
0x11a: {  	[tilespmem:s1+$0xFFFFFF30] =	vst v1;
	v1 =	vmax.f32 v3, $0.0e+00;
	v3 =	vld [tilespmem:s1+$0x30]  }
0x11b: {  	v6 =	vld [tilespmem:s19+$0xFFFFFFA0];
	[tilespmem:s1+$0xFFFFFFA0] =	vst v1;
	v0 =	vmax.f32 v0, $0.0e+00;
	v1 =	vshll.u32 v2, $0x10  }
0x11c: {  	v9 =	vld [tilespmem:s1+$0xFFFFFF40];
	[tilespmem:s1+$0xFFFFFFB0] =	vst v0;
	v0 =	vand.u32 $0xFFFF0000, v2;
	v1 =	vadd.f32 v1, v7  }
0x11d: {  	v2 =	vld [tilespmem:s19+$0xFFFFFFE0];
	v0 =	vadd.f32 v0, v5  }
0x11e: {  	v5 =	vld [tilespmem:s1+$0xFFFFFF50];
	v7 =	vshll.u32 v4, $0x10;
	v4 =	vand.u32 $0xFFFF0000, v4;
	v1 =	vmax.f32 v1, $0.0e+00  }
0x11f: {  	v10 =	vld [tilespmem:s1+$0xFFFFFFC0];
	v7 =	vadd.f32 v7, v8;
	v3 =	vadd.f32 v4, v3;
	[tilespmem:s1+$0xC0] =	vst v1;
	v0 =	vmax.f32 v0, $0.0e+00  }
0x120: {  	v1 =	vshll.u32 v6, $0x10;
	v4 =	vand.u32 $0xFFFF0000, v6;
	v6 =	vld [tilespmem:s1+$0xFFFFFFD0];
	[tilespmem:s1+$0xD0] =	vst v0  }
0x121: {  	v0 =	vadd.f32 v1, v9;
	v1 =	vmax.f32 v7, $0.0e+00;
	v3 =	vmax.f32 v3, $0.0e+00;
	v7 =	vld [tilespmem:s19+$0x70]  }
0x122: {  	v8 =	vshll.u32 v2, $0x10;
	v2 =	vand.u32 $0xFFFF0000, v2;
	[tilespmem:s1+$0x20] =	vst v1;
	v1 =	vld [tilespmem:s1+$0xF0]  }
0x123: {  	v0 =	vmax.f32 v0, $0.0e+00;
	v4 =	vadd.f32 v4, v5;
	[tilespmem:s1+$0x30] =	vst v3;
	v3 =	vld [tilespmem:s1+$0x40]  }
0x124: {  	[tilespmem:s1+$0xFFFFFF40] =	vst v0;
	v0 =	vadd.f32 v8, v10;
	v5 =	vld [tilespmem:s19+$0x20]  }
0x125: {  	v4 =	vmax.f32 v4, $0.0e+00;
	v2 =	vadd.f32 v2, v6;
	v6 =	vld [tilespmem:s1+$0x50]  }
0x126: {  	[tilespmem:s1+$0xFFFFFF50] =	vst v4;
	v4 =	vld [tilespmem:s1+$0xFFFFFF60];
	v8 =	vmax.f32 v0, $0.0e+00;
	v0 =	vshll.u32 v7, $0x10;
	v7 =	vand.u32 $0xFFFF0000, v7  }
0x127: {  	v9 =	vld [tilespmem:s19+$0xFFFFFFB0];
	[tilespmem:s1+$0xFFFFFFC0] =	vst v8;
	v2 =	vmax.f32 v2, $0.0e+00;
	v1 =	vadd.f32 v7, v1  }
0x128: {  	v7 =	vld [tilespmem:s1+$0xFFFFFF70];
	[tilespmem:s1+$0xFFFFFFD0] =	vst v2  }
0x129: {  	v8 =	vld [tilespmem:s19+$0xFFFFFFF0];
	v2 =	vshll.u32 v5, $0x10;
	v5 =	vand.u32 $0xFFFF0000, v5;
	v1 =	vmax.f32 v1, $0.0e+00  }
0x12a: {  	v10 =	vld [tilespmem:s1+$0xFFFFFFE0];
	v2 =	vadd.f32 v2, v3;
	v5 =	vadd.f32 v5, v6;
	[tilespmem:s1+$0xF0] =	vst v1  }
.Ltmp1:
0x12b: {  	v3 =	vld [tilespmem:s1+$0xFFFFFFF0];
	(pc) =	sbr.rel @p1 .LBB2_5-.Ltmp1, $4  }
0x12c: {  	v6 =	vshll.u32 v9, $0x10;
	v2 =	vmax.f32 v2, $0.0e+00;
	v5 =	vmax.f32 v5, $0.0e+00;
	v1 =	vld [tilespmem:s1+$0x60]  }
0x12d: {  	v9 =	vand.u32 $0xFFFF0000, v9;
	v11 =	vadd.f32 v6, v4;
	[tilespmem:s1+$0x40] =	vst v2;
	v2 =	vld [tilespmem:s1+$0x70]  }
0x12e: {  	v6 =	vadd.f32 v9, v7;
	v12 =	vshll.u32 v8, $0x10;
	v7 =	vand.u32 $0xFFFF0000, v8;
	[tilespmem:s1+$0x50] =	vst v5;
	v4 =	vld [tilespmem:s1+$0xE0]  }
0x12f: {  	v9 =	vmax.f32 v11, $0.0e+00;
	v8 =	vadd.f32 v12, v10;
	v5 =	vld [tilespmem:s19+$0x30];
	s19 =	sadd.s32 $0x100, s19  }
0x130: {  	_ =	sdelay $0x2  }
0x131: {  	[tilespmem:s15+$0xFFFFFF60] =	vst v9;
	v6 =	vmax.f32 v6, $0.0e+00;
	v3 =	vadd.f32 v7, v3  }
0x132: {  	[tilespmem:s15+$0xFFFFFF70] =	vst v6;
	v60 =	vmax.f32 v8, $0.0e+00;
	v0 =	vadd.f32 v0, v4;
	v61 =	vshll.u32 v5, $0x10  }
0x133: {  	[tilespmem:s15+$0xFFFFFFE0] =	vst v60;
	v3 =	vmax.f32 v3, $0.0e+00;
	v62 =	vand.u32 $0xFFFF0000, v5;
	v1 =	vadd.f32 v61, v1  }
0x134: {  	[tilespmem:s15+$0xFFFFFFF0] =	vst v3;
	v2 =	vadd.f32 v62, v2;
	v0 =	vmax.f32 v0, $0.0e+00  }
0x135: {  	s13 =	sadd.s32 $0x1, s13;
	[tilespmem:s15+$0xE0] =	vst v0;
	v1 =	vmax.f32 v1, $0.0e+00  }
0x136: {  	p1 =	sne.s32 s13, $0x3E;
	v63 =	vmax.f32 v2, $0.0e+00;
	[tilespmem:s15+$0x60] =	vst v1  }
.Ltmp2:
0x137: {  	[tilespmem:s15+$0x70] =	vst v63;
	(pc) =	sbr.rel @p1 .LBB2_2-.Ltmp2, $4  }
0x138: {  	_ =	swait.ge [sflag:s14], $0x50  }
0x139: {  	[sflag:s14] =	ssyncset.done $0x0  }
0x13a: {  	[sflag:s14] =	ssyncadd.s32 $0xFFFFFFB0  }
0x13b: {  	[spmem:s17] =	stream.indirect.scatter.add.f32 [tilespmem:s30], [sflag:$0xA], $0x80, s31, s25, $0xb8;
	[tilespmem:$0x1B1C0] =	vst v63  }
0x13c: {  	s1 =	simm.s32 $0xA  }
0x13d: {  	_ =	swait.ge [sflag:s1], $0x2800  }
0x13e: {  	[sflag:s1] =	ssyncset.done $0x0  }
0x13f: {  	[sflag:s1] =	ssyncadd.s32 $0xFFFFD800  }
0x140: {  	_ =	swait.ge [sflag:s0], $0x1400  }
0x141: {  	[sflag:s0] =	ssyncset.done $0x0  }
0x142: {  	[sflag:s0] =	ssyncadd.s32 $0xFFFFEC00  }
0x143: {  	_ =	swait.ge [sflag:s4], $0x2800  }
0x144: {  	[sflag:s4] =	ssyncset.done $0x0  }
0x145: {  	s29 =	simm.s32 $0x51C0;
	[sflag:s4] =	ssyncadd.s32 $0xFFFFD800  }
0x146: {  	s13 =	simm.s32 $0x240;
	v0 =	vld [tilespmem:s29+$0x40]  }
0x147: {  	v1 =	vld [tilespmem:s13+$0x80]  }
0x148: {  	v2 =	vld [tilespmem:s13+$0x90]  }
0x149: {  	v3 =	vld [tilespmem:s29+$0xFFFFFFC0]  }
0x14a: {  	v4 =	vld [tilespmem:s29+$0xFFFFFF80]  }
0x14b: {  	v6 =	vld [tilespmem:s13+$0xFFFFFF00];
	v5 =	vshll.u32 v0, $0x10  }
0x14c: {  	v7 =	vld [tilespmem:s29+$0x0];
	v0 =	vand.u32 $0xFFFF0000, v0;
	v1 =	vadd.f32 v5, v1  }
0x14d: {  	v5 =	vld [tilespmem:s13+$0xFFFFFF10];
	v0 =	vadd.f32 v0, v2  }
0x14e: {  	v2 =	vld [tilespmem:s13+$0xFFFFFF80];
	v1 =	vmax.f32 v1, $0.0e+00  }
0x14f: {  	v8 =	vld [tilespmem:s13+$0xFFFFFF90];
	v0 =	vmax.f32 v0, $0.0e+00;
	[tilespmem:s13+$0x80] =	vst v1  }
0x150: {  	v9 =	vld [tilespmem:s13+$0x0];
	v1 =	vshll.u32 v4, $0x10;
	[tilespmem:s13+$0x90] =	vst v0  }
0x151: {  	v4 =	vand.u32 $0xFFFF0000, v4;
	v0 =	vadd.f32 v1, v6;
	v1 =	vld [tilespmem:s29+$0x50]  }
0x152: {  	v6 =	vld [tilespmem:s13+$0xA0];
	v4 =	vadd.f32 v4, v5;
	v5 =	vshll.u32 v3, $0x10  }
0x153: {  	v3 =	vand.u32 $0xFFFF0000, v3;
	v0 =	vmax.f32 v0, $0.0e+00;
	v2 =	vadd.f32 v5, v2;
	v5 =	vld [tilespmem:s13+$0xB0]  }
0x154: {  	v3 =	vadd.f32 v3, v8;
	[tilespmem:s13+$0xFFFFFF00] =	vst v0;
	v0 =	vmax.f32 v4, $0.0e+00  }
0x155: {  	v10 =	vld [tilespmem:s13+$0xFFFFFF30];
	[tilespmem:s13+$0xFFFFFF10] =	vst v0;
	v0 =	vshll.u32 v7, $0x10;
	v2 =	vmax.f32 v2, $0.0e+00  }
0x156: {  	v4 =	vld [tilespmem:s13+$0x10];
	v0 =	vadd.f32 v0, v9;
	[tilespmem:s13+$0xFFFFFF80] =	vst v2;
	v2 =	vmax.f32 v3, $0.0e+00;
	v3 =	vshll.u32 v1, $0x10  }
0x157: {  	v9 =	vld [tilespmem:s29+$0xFFFFFF90];
	v1 =	vand.u32 $0xFFFF0000, v1;
	[tilespmem:s13+$0xFFFFFF90] =	vst v2;
	v2 =	vadd.f32 v3, v6  }
0x158: {  	v8 =	vld [tilespmem:s13+$0xFFFFFF20];
	v0 =	vmax.f32 v0, $0.0e+00;
	v1 =	vadd.f32 v1, v5  }
0x159: {  	v6 =	vld [tilespmem:s13+$0xFFFFFFB0];
	[tilespmem:s13+$0x0] =	vst v0;
	v2 =	vmax.f32 v2, $0.0e+00  }
0x15a: {  	v3 =	vld [tilespmem:s29+$0xFFFFFFD0];
	v5 =	vand.u32 $0xFFFF0000, v7;
	[tilespmem:s13+$0xA0] =	vst v2;
	v1 =	vmax.f32 v1, $0.0e+00  }
0x15b: {  	v0 =	vld [tilespmem:s13+$0xFFFFFFA0];
	v2 =	vadd.f32 v5, v4;
	[tilespmem:s13+$0xB0] =	vst v1  }
0x15c: {  	v1 =	vshll.u32 v9, $0x10;
	v5 =	vld [tilespmem:s29+$0x60]  }
0x15d: {  	v7 =	vand.u32 $0xFFFF0000, v9;
	v2 =	vmax.f32 v2, $0.0e+00;
	v1 =	vadd.f32 v1, v8;
	v8 =	vld [tilespmem:s13+$0xC0]  }
0x15e: {  	v7 =	vadd.f32 v7, v10;
	[tilespmem:s13+$0x10] =	vst v2;
	v2 =	vld [tilespmem:s13+$0xD0]  }
0x15f: {  	v9 =	vshll.u32 v3, $0x10;
	v1 =	vmax.f32 v1, $0.0e+00;
	v10 =	vld [tilespmem:s29+$0x10]  }
0x160: {  	v4 =	vld [tilespmem:s13+$0x20];
	v3 =	vand.u32 $0xFFFF0000, v3;
	v7 =	vmax.f32 v7, $0.0e+00;
	v0 =	vadd.f32 v9, v0;
	[tilespmem:s13+$0xFFFFFF20] =	vst v1  }
0x161: {  	v1 =	vadd.f32 v3, v6;
	[tilespmem:s13+$0xFFFFFF30] =	vst v7;
	v3 =	vld [tilespmem:s13+$0x30]  }
0x162: {  	v0 =	vmax.f32 v0, $0.0e+00;
	v6 =	vld [tilespmem:s29+$0xFFFFFFA0];
	v7 =	vshll.u32 v5, $0x10  }
0x163: {  	[tilespmem:s13+$0xFFFFFFA0] =	vst v0;
	v0 =	vmax.f32 v1, $0.0e+00;
	v1 =	vld [tilespmem:s13+$0xFFFFFF40];
	v5 =	vand.u32 $0xFFFF0000, v5;
	v7 =	vadd.f32 v7, v8  }
0x164: {  	[tilespmem:s13+$0xFFFFFFB0] =	vst v0;
	v0 =	vadd.f32 v5, v2;
	v2 =	vld [tilespmem:s13+$0xFFFFFF50];
	v5 =	vshll.u32 v10, $0x10  }
0x165: {  	v8 =	vld [tilespmem:s29+$0xFFFFFFE0];
	v9 =	vand.u32 $0xFFFF0000, v10;
	v7 =	vmax.f32 v7, $0.0e+00;
	v4 =	vadd.f32 v5, v4  }
0x166: {  	v5 =	vld [tilespmem:s13+$0xFFFFFFC0];
	v3 =	vadd.f32 v9, v3;
	v0 =	vmax.f32 v0, $0.0e+00;
	[tilespmem:s13+$0xC0] =	vst v7  }
0x167: {  	v9 =	vld [tilespmem:s13+$0xFFFFFFD0];
	v7 =	vshll.u32 v6, $0x10;
	[tilespmem:s13+$0xD0] =	vst v0;
	v0 =	vmax.f32 v4, $0.0e+00  }
0x168: {  	v4 =	vand.u32 $0xFFFF0000, v6;
	v1 =	vadd.f32 v7, v1;
	v3 =	vmax.f32 v3, $0.0e+00;
	v6 =	vld [tilespmem:s29+$0x70];
	[tilespmem:s13+$0x20] =	vst v0  }
0x169: {  	v0 =	vld [tilespmem:s13+$0xF0];
	[tilespmem:s13+$0x30] =	vst v3  }
0x16a: {  	v2 =	vadd.f32 v4, v2;
	v3 =	vshll.u32 v8, $0x10;
	v1 =	vmax.f32 v1, $0.0e+00;
	v4 =	vld [tilespmem:s29+$0x20]  }
0x16b: {  	v7 =	vand.u32 $0xFFFF0000, v8;
	v8 =	vld [tilespmem:s13+$0x40];
	[tilespmem:s13+$0xFFFFFF40] =	vst v1;
	v1 =	vadd.f32 v3, v5  }
0x16c: {  	v2 =	vmax.f32 v2, $0.0e+00;
	v3 =	vadd.f32 v7, v9;
	v5 =	vld [tilespmem:s13+$0x50]  }
0x16d: {  	v9 =	vld [tilespmem:s13+$0xFFFFFF70];
	[tilespmem:s13+$0xFFFFFF50] =	vst v2;
	v1 =	vmax.f32 v1, $0.0e+00  }
0x16e: {  	v7 =	vld [tilespmem:s29+$0xFFFFFFB0];
	[tilespmem:s13+$0xFFFFFFC0] =	vst v1;
	v1 =	vmax.f32 v3, $0.0e+00  }
0x16f: {  	v2 =	vld [tilespmem:s13+$0xFFFFFF60];
	v3 =	vand.u32 $0xFFFF0000, v6;
	[tilespmem:s13+$0xFFFFFFD0] =	vst v1  }
0x170: {  	v1 =	vshll.u32 v4, $0x10;
	v0 =	vadd.f32 v3, v0;
	v10 =	vld [tilespmem:s29+$0xFFFFFFF0]  }
0x171: {  	v3 =	vand.u32 $0xFFFF0000, v4;
	v1 =	vadd.f32 v1, v8;
	v8 =	vld [tilespmem:s13+$0xFFFFFFE0]  }
0x172: {  	v4 =	vadd.f32 v3, v5;
	v3 =	vld [tilespmem:s13+$0xFFFFFFF0];
	v0 =	vmax.f32 v0, $0.0e+00  }
0x173: {  	v5 =	vmax.f32 v1, $0.0e+00;
	v1 =	vld [tilespmem:s13+$0x60];
	v11 =	vshll.u32 v7, $0x10;
	[tilespmem:s13+$0xF0] =	vst v0  }
0x174: {  	v4 =	vmax.f32 v4, $0.0e+00;
	[tilespmem:s13+$0x40] =	vst v5;
	v5 =	vand.u32 $0xFFFF0000, v7;
	v11 =	vadd.f32 v11, v2;
	v2 =	vld [tilespmem:s13+$0x70]  }
0x175: {  	v0 =	vshll.u32 v6, $0x10;
	[tilespmem:s13+$0x50] =	vst v4;
	v4 =	vld [tilespmem:s13+$0xE0];
	v6 =	vadd.f32 v5, v9;
	v5 =	vshll.u32 v10, $0x10  }
0x176: {  	s15 =	simm.s32 $0x0;
	s16 =	simm.s32 $0x52C0;
	s1 =	simm.s32 $0x240;
	v7 =	vand.u32 $0xFFFF0000, v10;
	v9 =	vmax.f32 v11, $0.0e+00;
	v8 =	vadd.f32 v5, v8;
	v5 =	vld [tilespmem:s29+$0x30]  }
.LBB2_8:
0x177: {  	v10 =	vld [tilespmem:s16+$0x40];
	[tilespmem:s13+$0xFFFFFF60] =	vst v9;
	v6 =	vmax.f32 v6, $0.0e+00;
	v3 =	vadd.f32 v7, v3;
	s1 =	sadd.s32 $0x200, s1  }
0x178: {  	v7 =	vld [tilespmem:s1+$0x80];
	[tilespmem:s13+$0xFFFFFF70] =	vst v6;
	v6 =	vmax.f32 v8, $0.0e+00  }
0x179: {  	v8 =	vld [tilespmem:s1+$0x90];
	[tilespmem:s13+$0xFFFFFFE0] =	vst v6;
	v3 =	vmax.f32 v3, $0.0e+00  }
0x17a: {  	s15 =	sadd.s32 $0x4, s15;
	v6 =	vld [tilespmem:s16+$0xFFFFFFC0];
	[tilespmem:s13+$0xFFFFFFF0] =	vst v3;
	v0 =	vadd.f32 v0, v4  }
0x17b: {  	p1 =	slt.u32 s15, $0x4C;
	v3 =	vld [tilespmem:s16+$0x0];
	v4 =	vshll.u32 v5, $0x10;
	v5 =	vand.u32 $0xFFFF0000, v5  }
0x17c: {  	v9 =	vld [tilespmem:s16+$0xFFFFFF80];
	v11 =	vshll.u32 v10, $0x10;
	v1 =	vadd.f32 v4, v1;
	v2 =	vadd.f32 v5, v2  }
0x17d: {  	v5 =	vand.u32 $0xFFFF0000, v10;
	v0 =	vmax.f32 v0, $0.0e+00;
	v4 =	vld [tilespmem:s1+$0xFFFFFF00];
	v7 =	vadd.f32 v11, v7  }
0x17e: {  	v10 =	vld [tilespmem:s1+$0xFFFFFF10];
	v5 =	vadd.f32 v5, v8;
	v1 =	vmax.f32 v1, $0.0e+00;
	v2 =	vmax.f32 v2, $0.0e+00;
	[tilespmem:s13+$0xE0] =	vst v0  }
0x17f: {  	v0 =	vshll.u32 v6, $0x10;
	v6 =	vand.u32 $0xFFFF0000, v6;
	v8 =	vld [tilespmem:s1+$0xFFFFFF80];
	v7 =	vmax.f32 v7, $0.0e+00;
	[tilespmem:s13+$0x60] =	vst v1  }
0x180: {  	v1 =	vld [tilespmem:s1+$0xFFFFFF90];
	v11 =	vshll.u32 v3, $0x10;
	v3 =	vand.u32 $0xFFFF0000, v3;
	[tilespmem:s1+$0x80] =	vst v7;
	v5 =	vmax.f32 v5, $0.0e+00  }
0x181: {  	v7 =	vshll.u32 v9, $0x10;
	v9 =	vand.u32 $0xFFFF0000, v9;
	v12 =	vld [tilespmem:s1+$0x0];
	[tilespmem:s1+$0x90] =	vst v5  }
0x182: {  	v4 =	vadd.f32 v7, v4;
	v5 =	vld [tilespmem:s16+$0x50];
	[tilespmem:s13+$0x70] =	vst v2;
	s13 =	smov.u32 s1  }
0x183: {  	v2 =	vadd.f32 v9, v10;
	v7 =	vld [tilespmem:s1+$0xA0]  }
0x184: {  	v4 =	vmax.f32 v4, $0.0e+00;
	v0 =	vadd.f32 v0, v8;
	v8 =	vld [tilespmem:s1+$0xB0]  }
0x185: {  	[tilespmem:s1+$0xFFFFFF00] =	vst v4;
	v2 =	vmax.f32 v2, $0.0e+00;
	v1 =	vadd.f32 v6, v1;
	v4 =	vld [tilespmem:s1+$0x10]  }
0x186: {  	[tilespmem:s1+$0xFFFFFF10] =	vst v2;
	v2 =	vld [tilespmem:s1+$0xFFFFFF20];
	v0 =	vmax.f32 v0, $0.0e+00;
	v6 =	vadd.f32 v11, v12  }
0x187: {  	v9 =	vld [tilespmem:s16+$0xFFFFFF90];
	[tilespmem:s1+$0xFFFFFF80] =	vst v0;
	v0 =	vmax.f32 v1, $0.0e+00;
	v1 =	vshll.u32 v5, $0x10  }
0x188: {  	v5 =	vand.u32 $0xFFFF0000, v5;
	v10 =	vld [tilespmem:s1+$0xFFFFFF30];
	[tilespmem:s1+$0xFFFFFF90] =	vst v0;
	v0 =	vmax.f32 v6, $0.0e+00;
	v1 =	vadd.f32 v1, v7  }
0x189: {  	v6 =	vld [tilespmem:s16+$0xFFFFFFD0];
	[tilespmem:s1+$0x0] =	vst v0;
	v0 =	vadd.f32 v5, v8  }
0x18a: {  	v5 =	vld [tilespmem:s1+$0xFFFFFFA0];
	v3 =	vadd.f32 v3, v4;
	v1 =	vmax.f32 v1, $0.0e+00  }
0x18b: {  	v4 =	vld [tilespmem:s1+$0xFFFFFFB0];
	[tilespmem:s1+$0xA0] =	vst v1;
	v0 =	vmax.f32 v0, $0.0e+00  }
0x18c: {  	v1 =	vshll.u32 v9, $0x10;
	v7 =	vand.u32 $0xFFFF0000, v9;
	v3 =	vmax.f32 v3, $0.0e+00;
	v8 =	vld [tilespmem:s1+$0x20];
	[tilespmem:s1+$0xB0] =	vst v0  }
0x18d: {  	v0 =	vadd.f32 v1, v2;
	v1 =	vadd.f32 v7, v10;
	[tilespmem:s1+$0x10] =	vst v3;
	v2 =	vld [tilespmem:s16+$0x60]  }
0x18e: {  	v3 =	vshll.u32 v6, $0x10;
	v6 =	vand.u32 $0xFFFF0000, v6;
	v7 =	vld [tilespmem:s1+$0xC0]  }
0x18f: {  	v0 =	vmax.f32 v0, $0.0e+00;
	v1 =	vmax.f32 v1, $0.0e+00;
	v3 =	vadd.f32 v3, v5;
	v5 =	vld [tilespmem:s1+$0xD0]  }
0x190: {  	[tilespmem:s1+$0xFFFFFF20] =	vst v0;
	v0 =	vadd.f32 v6, v4;
	v4 =	vld [tilespmem:s16+$0x10]  }
0x191: {  	[tilespmem:s1+$0xFFFFFF30] =	vst v1;
	v1 =	vmax.f32 v3, $0.0e+00;
	v3 =	vld [tilespmem:s1+$0x30]  }
0x192: {  	v6 =	vld [tilespmem:s16+$0xFFFFFFA0];
	[tilespmem:s1+$0xFFFFFFA0] =	vst v1;
	v0 =	vmax.f32 v0, $0.0e+00;
	v1 =	vshll.u32 v2, $0x10  }
0x193: {  	v9 =	vld [tilespmem:s1+$0xFFFFFF40];
	[tilespmem:s1+$0xFFFFFFB0] =	vst v0;
	v0 =	vand.u32 $0xFFFF0000, v2;
	v1 =	vadd.f32 v1, v7  }
0x194: {  	v2 =	vld [tilespmem:s16+$0xFFFFFFE0];
	v0 =	vadd.f32 v0, v5  }
0x195: {  	v5 =	vld [tilespmem:s1+$0xFFFFFF50];
	v7 =	vshll.u32 v4, $0x10;
	v4 =	vand.u32 $0xFFFF0000, v4;
	v1 =	vmax.f32 v1, $0.0e+00  }
0x196: {  	v10 =	vld [tilespmem:s1+$0xFFFFFFC0];
	v7 =	vadd.f32 v7, v8;
	v3 =	vadd.f32 v4, v3;
	[tilespmem:s1+$0xC0] =	vst v1;
	v0 =	vmax.f32 v0, $0.0e+00  }
0x197: {  	v1 =	vshll.u32 v6, $0x10;
	v4 =	vand.u32 $0xFFFF0000, v6;
	v6 =	vld [tilespmem:s1+$0xFFFFFFD0];
	[tilespmem:s1+$0xD0] =	vst v0  }
0x198: {  	v0 =	vadd.f32 v1, v9;
	v1 =	vmax.f32 v7, $0.0e+00;
	v3 =	vmax.f32 v3, $0.0e+00;
	v7 =	vld [tilespmem:s16+$0x70]  }
0x199: {  	v8 =	vshll.u32 v2, $0x10;
	v2 =	vand.u32 $0xFFFF0000, v2;
	[tilespmem:s1+$0x20] =	vst v1;
	v1 =	vld [tilespmem:s1+$0xF0]  }
0x19a: {  	v0 =	vmax.f32 v0, $0.0e+00;
	v4 =	vadd.f32 v4, v5;
	[tilespmem:s1+$0x30] =	vst v3;
	v3 =	vld [tilespmem:s1+$0x40]  }
0x19b: {  	[tilespmem:s1+$0xFFFFFF40] =	vst v0;
	v0 =	vadd.f32 v8, v10;
	v5 =	vld [tilespmem:s16+$0x20]  }
0x19c: {  	v4 =	vmax.f32 v4, $0.0e+00;
	v2 =	vadd.f32 v2, v6;
	v6 =	vld [tilespmem:s1+$0x50]  }
0x19d: {  	[tilespmem:s1+$0xFFFFFF50] =	vst v4;
	v4 =	vld [tilespmem:s1+$0xFFFFFF60];
	v8 =	vmax.f32 v0, $0.0e+00;
	v0 =	vshll.u32 v7, $0x10;
	v7 =	vand.u32 $0xFFFF0000, v7  }
0x19e: {  	v9 =	vld [tilespmem:s16+$0xFFFFFFB0];
	[tilespmem:s1+$0xFFFFFFC0] =	vst v8;
	v2 =	vmax.f32 v2, $0.0e+00;
	v1 =	vadd.f32 v7, v1  }
0x19f: {  	v7 =	vld [tilespmem:s1+$0xFFFFFF70];
	[tilespmem:s1+$0xFFFFFFD0] =	vst v2  }
0x1a0: {  	v8 =	vld [tilespmem:s16+$0xFFFFFFF0];
	v2 =	vshll.u32 v5, $0x10;
	v5 =	vand.u32 $0xFFFF0000, v5;
	v1 =	vmax.f32 v1, $0.0e+00  }
0x1a1: {  	v10 =	vld [tilespmem:s1+$0xFFFFFFE0];
	v2 =	vadd.f32 v2, v3;
	v5 =	vadd.f32 v5, v6;
	[tilespmem:s1+$0xF0] =	vst v1  }
.Ltmp3:
0x1a2: {  	v3 =	vld [tilespmem:s1+$0xFFFFFFF0];
	(pc) =	sbr.rel @p1 .LBB2_8-.Ltmp3, $4  }
0x1a3: {  	v6 =	vshll.u32 v9, $0x10;
	v2 =	vmax.f32 v2, $0.0e+00;
	v5 =	vmax.f32 v5, $0.0e+00;
	v1 =	vld [tilespmem:s1+$0x60]  }
0x1a4: {  	v9 =	vand.u32 $0xFFFF0000, v9;
	v11 =	vadd.f32 v6, v4;
	[tilespmem:s1+$0x40] =	vst v2;
	v2 =	vld [tilespmem:s1+$0x70]  }
0x1a5: {  	v6 =	vadd.f32 v9, v7;
	v12 =	vshll.u32 v8, $0x10;
	v7 =	vand.u32 $0xFFFF0000, v8;
	[tilespmem:s1+$0x50] =	vst v5;
	v4 =	vld [tilespmem:s1+$0xE0]  }
0x1a6: {  	v9 =	vmax.f32 v11, $0.0e+00;
	v8 =	vadd.f32 v12, v10;
	v5 =	vld [tilespmem:s16+$0x30];
	s16 =	sadd.s32 $0x100, s16  }
0x1a7: {  	_ =	sdelay $0x2  }
0x1a8: {  	[tilespmem:s13+$0xFFFFFF60] =	vst v9;
	v6 =	vmax.f32 v6, $0.0e+00;
	v3 =	vadd.f32 v7, v3  }
0x1a9: {  	[tilespmem:s13+$0xFFFFFF70] =	vst v6;
	v60 =	vmax.f32 v8, $0.0e+00;
	v0 =	vadd.f32 v0, v4;
	v61 =	vshll.u32 v5, $0x10  }
0x1aa: {  	[tilespmem:s13+$0xFFFFFFE0] =	vst v60;
	v3 =	vmax.f32 v3, $0.0e+00;
	v62 =	vand.u32 $0xFFFF0000, v5;
	v1 =	vadd.f32 v61, v1  }
0x1ab: {  	[tilespmem:s13+$0xFFFFFFF0] =	vst v3;
	v2 =	vadd.f32 v62, v2;
	v0 =	vmax.f32 v0, $0.0e+00  }
0x1ac: {  	[tilespmem:s13+$0xE0] =	vst v0;
	v1 =	vmax.f32 v1, $0.0e+00  }
0x1ad: {  	v63 =	vmax.f32 v2, $0.0e+00;
	[tilespmem:s13+$0x60] =	vst v1  }
0x1ae: {  	[tilespmem:s13+$0x70] =	vst v63  }
0x1af: {  	_ =	swait.ge [sflag:s9], $0x50  }
0x1b0: {  	[sflag:s9] =	ssyncset.done $0x0  }
0x1b1: {  	[sflag:s9] =	ssyncadd.s32 $0xFFFFFFB0  }
0x1b2: {  	[spmem:s17] =	stream.indirect.scatter.add.f32 [tilespmem:s23], [sflag:$0x9], $0x80, s22, s25, $0xb8;
	[tilespmem:$0x1B1C0] =	vst v63  }
0x1b3: {  	_ =	swait.ge [sflag:s10], $0x2800  }
0x1b4: {  	[sflag:s10] =	ssyncset.done $0x0  }
0x1b5: {  	[sflag:s10] =	ssyncadd.s32 $0xFFFFD800  }
0x1b6: {  	[bflag:$0x0] =	sbarrier.arrive $0xFFFF  }
0x1b7: {  	s8 =	rddreg [dreg:$0xf]  }
0x1b8: {  	s1 =	simm.s32 @p0 $0x1FCB;
	s13 =	rddreg [dreg:$0x12]  }
0x1b9: {  	[hbm:s8], [sflag:s1] =	dma.local @p0 [spmem:s13], $0x2800  }
0x1ba: {  	s1 =	simm.s32 @p0 $0xB  }
0x1bb: {  	_ =	swait.ge @p0 [sflag:s1], $0x2800  }
0x1bc: {  	s8 =	rddreg [dreg:$0x13]  }
0x1bd: {  	[sflag:s1] =	ssyncset.done @p0 $0x0;
	s13 =	rddreg [dreg:$0x14]  }
0x1be: {  	[sflag:s1] =	ssyncadd.s32 @p0 $0xFFFFD800;
	s1 =	rddreg [dreg:$0xe]  }
0x1bf: {  	[hbm:s1], [sflag:s8] =	dma.local @!p0 [spmem:s13], $0x2700  }
0x1c0: {  	s1 =	simm.s32 @!p0 $0xB  }
0x1c1: {  	_ =	swait.ge @!p0 [sflag:s1], $0x2700  }
0x1c2: {  	s26 =	rddreg [dreg:$0x11]  }
0x1c3: {  	s29 =	rddreg [dreg:$0x10];
	s13 =	sadd.s32 $0x1, s26  }
0x1c4: {  	p1 =	sne.s32 s13, s29  }
.Ltmp4:
0x1c5: {  	_ = 	snop;
	(pc) =	sbr.rel @p1 .LBB2_1-.Ltmp4, $3  }
0x1c6: {  	_ =	sdelay $0x1  }
0x1c7: {  	[sflag:s1] =	ssyncset.done @!p0 $0x0  }
0x1c8: {  	[sflag:s1] =	ssyncadd.s32 @!p0 $0xFFFFD900  }
0x1c9: {  	_ =	sfence.sel $0x180000  }
0x1ca: {  	[bflag:$0x0] =	sbarrier.arrive $0xFFFF  }
0x1cb: {  	_ =	strace $0x90000047  }
0x1cc: {  	s0 =	stileid.u32;
	[bflag:$0x2] =	sbarrier.arrive $0xFFFF  }
0x1cd: {  	p0 =	sne.s32 s0, $0x0;
	s0 =	rddreg [dreg:$0x4]  }
0x1ce: {  	s0 =	sadd.s32 @!p0 $0x100000, s0  }
0x1cf: {  	[sflag:s0] =	ssyncadd.tile.s32 @!p0 $0x1;
	_ =	shalt  }
.Lfunc_end2:
_tile_overlayer_lowered:
.L_overlay_start_2:
0x1d0: {  	(tag) =	ssettag $0x2  }
0x1d1: {  	s0 =	rddreg [dreg:$0x0];
	s2 =	stileid.u32  }
0x1d2: {  	s1 =	rddreg [dreg:$0x1];
	p0 =	sne.s32 s2, $0x0  }
0x1d3: {  	s3 =	rddreg [dreg:$0x2];
	[bflag:$0x3] =	sbarrier.arrive $0xFFFF;
	s2 =	simm.s32 @!p0 $0x1C0B  }
0x1d4: {  	[timem:s3], [sflag:s2] =	dma.local @!p0 [hbm:s0], s1  }
0x1d5: {  	s0 =	simm.s32 @!p0 $0xB  }
0x1d6: {  	_ =	swait.ge @!p0 [sflag:s0], s1  }
0x1d7: {  	s1 =	ssub.s32 @!p0 $0x0, s1;
	[sflag:s0] =	ssyncset.done @!p0 $0x0  }
0x1d8: {  	[sflag:s0] =	ssyncadd.s32 @!p0 s1  }
0x1d9: {  	[bflag:$0x3] =	sbarrier.arrive $0xFFFF  }
0x1da: {  	_ =	shalt  }

</sc_bundles>
